<compile_context>
chip_gen: v7x
topology: tpu7x:2x2x1
jax: 0.10.2.dev20260603
libtpu: 0.0.44.dev20260713+nightly
codegen_flags: <defaults>
</compile_context>

<pallas_src>
import functools

import jax
import jax.numpy as jnp
from jax import lax
from jax.experimental import pallas as pl
from jax.experimental.pallas import tpu as pltpu
from jax.experimental.pallas import tpu_sc as plsc

T, D, I, E, K = 2048, 1024, 512, 16, 2
BM = 256
NBLK = (K * T) // BM + E
NPAD = NBLK * BM
NEG_INF = -1e30
NW = 32
APW = (K * T) // NW
CHS = 64


def _router_sort_kernel(x_ref, w_ref, b_ref, slots_ref, wts_ref,
                        counts_ref, ent_ref, be_ref, nb_ref, xbf_ref):
    x = x_ref[...]
    xbf_ref[...] = x.astype(jnp.bfloat16)
    logits = jnp.dot(x, w_ref[...], preferred_element_type=jnp.float32)
    biased = logits + b_ref[...]

    iota_e = lax.broadcasted_iota(jnp.int32, (T, E), 1)
    m0 = jnp.max(biased, axis=-1, keepdims=True)
    e0 = jnp.min(jnp.where(biased == m0, iota_e, E), axis=-1, keepdims=True)
    masked = jnp.where(iota_e == e0, NEG_INF, biased)
    m1 = jnp.max(masked, axis=-1, keepdims=True)
    e1 = jnp.min(jnp.where(masked == m1, iota_e, E), axis=-1, keepdims=True)

    one0 = (iota_e == e0).astype(jnp.float32)
    one1 = (iota_e == e1).astype(jnp.float32)
    u0 = jnp.sum(jnp.where(iota_e == e0, logits, 0.0), axis=-1, keepdims=True)
    u1 = jnp.sum(jnp.where(iota_e == e1, logits, 0.0), axis=-1, keepdims=True)
    s0 = jax.nn.sigmoid(u0)
    s1 = jax.nn.sigmoid(u1)
    denom = s0 + s1
    wts_ref[...] = jnp.concatenate([s0 / denom, s1 / denom], axis=1)

    A = one0 + one1
    counts = jnp.sum(A, axis=0, keepdims=True)
    counts_ref[...] = counts
    total = jnp.maximum(jnp.sum(counts), 1.0)
    frac = counts / total
    ent_ref[...] = -jnp.sum(frac * jnp.log(frac + 1e-6), keepdims=True).reshape(1, 1)

    CB = 512
    ib = lax.broadcasted_iota(jnp.int32, (CB, CB), 0)
    jb = lax.broadcasted_iota(jnp.int32, (CB, CB), 1)
    Lb = (jb < ib).astype(jnp.float32)
    carry = jnp.zeros((1, E), jnp.float32)
    chunks = []
    for c in range(T // CB):
        Ac = A[c * CB:(c + 1) * CB]
        chunks.append(jnp.dot(Lb, Ac, preferred_element_type=jnp.float32) + carry)
        carry = carry + jnp.sum(Ac, axis=0, keepdims=True)
    P = jnp.concatenate(chunks, axis=0)

    counts_pad = jnp.ceil(counts / BM) * BM
    iu = lax.broadcasted_iota(jnp.int32, (E, E), 0)
    ju = lax.broadcasted_iota(jnp.int32, (E, E), 1)
    U = (iu < ju).astype(jnp.float32)
    off = jnp.dot(counts_pad, U, preferred_element_type=jnp.float32)

    base = off + P
    slot0 = jnp.sum(jnp.where(iota_e == e0, base, 0.0), axis=-1, keepdims=True)
    slot1 = jnp.sum(jnp.where(iota_e == e1, base, 0.0), axis=-1, keepdims=True)
    slots_ref[...] = jnp.concatenate([slot0, slot1], axis=1).astype(jnp.int32)

    bstart = off / BM
    iblk = lax.broadcasted_iota(jnp.int32, (NBLK, E), 0).astype(jnp.float32)
    be = jnp.sum((iblk >= bstart).astype(jnp.int32), axis=-1, keepdims=True) - 1
    be_ref[...] = be
    nblocks = (jnp.sum(counts_pad) / BM).astype(jnp.int32)
    nb_ref[...] = nblocks.reshape(1, 1)


def _sc_scatter_x(x_hbm, slots_hbm, tok_hbm, xg_hbm, tok_v, slot_v, rows_v, sem):
    wid = lax.axis_index("s") * 2 + lax.axis_index("c")
    for r in range(APW // CHS):
        a_base = wid * APW + r * CHS
        pltpu.sync_copy(slots_hbm.at[pl.ds(a_base, CHS)], slot_v)
        pltpu.sync_copy(tok_hbm.at[pl.ds(a_base, CHS)], tok_v)
        pltpu.async_copy(x_hbm.at[tok_v], rows_v, sem).wait()
        pltpu.async_copy(rows_v, xg_hbm.at[slot_v], sem).wait()


def _sc_gather_y(y_hbm, slots_hbm, out_hbm, idx_v, rows_v, sem):
    wid = lax.axis_index("s") * 2 + lax.axis_index("c")
    for r in range(APW // CHS):
        a_base = wid * APW + r * CHS
        pltpu.sync_copy(slots_hbm.at[pl.ds(a_base, CHS)], idx_v)
        pltpu.async_copy(y_hbm.at[idx_v], rows_v, sem).wait()
        pltpu.sync_copy(rows_v, out_hbm.at[pl.ds(a_base, CHS)])


def _combine_kernel(yg_ref, wts_ref, out_ref):
    y0 = yg_ref[:, 0, :].astype(jnp.float32)
    y1 = yg_ref[:, 1, :].astype(jnp.float32)
    w0 = wts_ref[:, 0:1]
    w1 = wts_ref[:, 1:2]
    out_ref[...] = w0 * y0 + w1 * y1


def _gmm_kernel(be_ref, nb_ref, xg_ref, wgu_ref, wd_ref, y_ref):
    @pl.when(pl.program_id(0) < nb_ref[0])
    def _():
        xb = xg_ref[...]
        wgu = wgu_ref[0].astype(jnp.bfloat16)
        gu = jnp.dot(xb, wgu, preferred_element_type=jnp.float32)
        gate = gu[:, :I]
        up = gu[:, I:]
        h = (gate * jax.nn.sigmoid(gate) * up).astype(jnp.bfloat16)
        wd = wd_ref[0].astype(jnp.bfloat16)
        y_ref[...] = jnp.dot(h, wd,
                             preferred_element_type=jnp.float32).astype(jnp.bfloat16)


_SC_MESH = plsc.VectorSubcoreMesh(core_axis_name="c", subcore_axis_name="s")

DH = D // 2

_scatter_x = functools.partial(
    pl.kernel,
    out_type=jax.ShapeDtypeStruct((NPAD, DH), jnp.int32),
    mesh=_SC_MESH,
    scratch_types=[
        pltpu.VMEM((CHS,), jnp.int32),
        pltpu.VMEM((CHS,), jnp.int32),
        pltpu.VMEM((CHS, DH), jnp.int32),
        pltpu.SemaphoreType.DMA,
    ],
)(_sc_scatter_x)

_gather_y = functools.partial(
    pl.kernel,
    out_type=jax.ShapeDtypeStruct((K * T, DH), jnp.int32),
    mesh=_SC_MESH,
    scratch_types=[
        pltpu.VMEM((CHS,), jnp.int32),
        pltpu.VMEM((CHS, DH), jnp.int32),
        pltpu.SemaphoreType.DMA,
    ],
)(_sc_gather_y)


def _as_i32(a_bf16):
    n, d = a_bf16.shape
    return lax.bitcast_convert_type(a_bf16.reshape(n, d // 2, 2), jnp.int32)


def _as_bf16(a_i32):
    n, d = a_i32.shape
    return lax.bitcast_convert_type(a_i32, jnp.bfloat16).reshape(n, 2 * d)


@jax.jit
def kernel(x, router, router_bias, w_gate_up, w_down):
    x_flat = x.reshape(T, D)

    slots2, wts2, counts, ent, be, nb, xbf = pl.pallas_call(
        _router_sort_kernel,
        out_shape=[
            jax.ShapeDtypeStruct((T, K), jnp.int32),
            jax.ShapeDtypeStruct((T, K), jnp.float32),
            jax.ShapeDtypeStruct((1, E), jnp.float32),
            jax.ShapeDtypeStruct((1, 1), jnp.float32),
            jax.ShapeDtypeStruct((NBLK, 1), jnp.int32),
            jax.ShapeDtypeStruct((1, 1), jnp.int32),
            jax.ShapeDtypeStruct((T, D), jnp.bfloat16),
        ],
    )(x_flat, router, router_bias.reshape(1, E))

    slots_flat = slots2.reshape(K * T)
    be_flat = be.reshape(NBLK)
    nb_flat = nb.reshape(1)

    tok_idx = jnp.arange(K * T, dtype=jnp.int32) // K
    xg = _as_bf16(_scatter_x(_as_i32(xbf), slots_flat, tok_idx))

    y = pl.pallas_call(
        _gmm_kernel,
        grid_spec=pltpu.PrefetchScalarGridSpec(
            num_scalar_prefetch=2,
            grid=(NBLK,),
            in_specs=[
                pl.BlockSpec((BM, D), lambda i, be, nb: (jnp.minimum(i, nb[0] - 1), 0)),
                pl.BlockSpec((1, D, 2 * I), lambda i, be, nb: (be[i], 0, 0)),
                pl.BlockSpec((1, I, D), lambda i, be, nb: (be[i], 0, 0)),
            ],
            out_specs=pl.BlockSpec((BM, D),
                                   lambda i, be, nb: (jnp.minimum(i, nb[0] - 1), 0)),
        ),
        out_shape=jax.ShapeDtypeStruct((NPAD, D), jnp.bfloat16),
    )(be_flat, nb_flat, xg, w_gate_up, w_down)

    y_gath = _as_bf16(_gather_y(_as_i32(y), slots_flat))

    routed = pl.pallas_call(
        _combine_kernel,
        grid=(4,),
        in_specs=[
            pl.BlockSpec((T // 4, K, D), lambda t: (t, 0, 0)),
            pl.BlockSpec((T // 4, K), lambda t: (t, 0)),
        ],
        out_specs=pl.BlockSpec((T // 4, D), lambda t: (t, 0)),
        out_shape=jax.ShapeDtypeStruct((T, D), jnp.float32),
    )(y_gath.reshape(T, K, D), wts2)

    return routed.reshape(x.shape), counts.reshape(E), ent.reshape(())

# --- scband reference (transcript-rebuilt; emitter-appended) ---
"""Pipeline reference for scband-mo-emlp-3762391351684 (READ-ONLY COPY).

The authoritative reference and input builder live on the scoring server;
editing this copy changes nothing except your own understanding.
"""

import jax, jax.numpy as jnp
import numpy as np

B, S, D, I, E, K = 1, 2048, 1024, 512, 16, 2


def setup_inputs(seed: int = 0) -> dict:
    key = jax.random.key(seed)
    k1, k2, k3, k4, k5 = jax.random.split(key, 5)
    x = jax.random.normal(k1, (B, S, D), dtype=jnp.float32)
    router = jax.random.normal(k2, (D, E), dtype=jnp.float32) * (1.0 / np.sqrt(D))
    router_bias = jnp.zeros((E,), dtype=jnp.float32)
    w_gate = jax.random.normal(k3, (E, D, I), dtype=jnp.float32) * (1.0 / np.sqrt(D))
    w_up = jax.random.normal(k4, (E, D, I), dtype=jnp.float32) * (1.0 / np.sqrt(D))
    w_gate_up = jnp.concatenate([w_gate, w_up], axis=-1)
    alpha_ffn = I / D
    w_down = jax.random.normal(k5, (E, I, D), dtype=jnp.float32) * (1.0 / (alpha_ffn * np.sqrt(D)))
    return {"x": x, "router": router, "router_bias": router_bias, "w_gate_up": w_gate_up, "w_down": w_down}


def reference(x, router, router_bias, w_gate_up, w_down):
    b, s, d = x.shape
    e = router.shape[1]
    x_flat = x.reshape(b * s, d)
    # router
    router_logits = jnp.einsum('td,de->te', x_flat, router)
    biased_logits = router_logits + jax.lax.stop_gradient(router_bias)
    _topk_logits, selected_experts = jax.lax.top_k(biased_logits, K)
    unbiased_topk = jnp.take_along_axis(router_logits, selected_experts, axis=-1)
    topk_weights = jax.nn.sigmoid(unbiased_topk)
    combine_weights = (topk_weights / jnp.sum(topk_weights, axis=-1, keepdims=True)).astype(x.dtype)
    # routing stats
    expert_counts = jnp.sum(jax.nn.one_hot(selected_experts, e, dtype=jnp.float32), axis=(0, 1))
    total_assignments = jnp.maximum(jnp.sum(expert_counts), 1.0)
    assignment_fraction = expert_counts / total_assignments
    routing_entropy = -jnp.sum(assignment_fraction * jnp.log(assignment_fraction + 1e-06))
    # moe_mlp: dropless dense-dispatch equivalent (scatter combine weights into [T, E])
    T = x_flat.shape[0]
    C = jnp.zeros((T, e), dtype=x.dtype).at[jnp.arange(T)[:, None], selected_experts].set(combine_weights)
    gu = jnp.einsum('td,edi->tei', x_flat, w_gate_up)
    gate, up = jnp.split(gu, 2, axis=-1)
    h = jax.nn.silu(gate) * up
    out_e = jnp.einsum('tei,eid->ted', h, w_down)
    routed_flat = jnp.einsum('te,ted->td', C, out_e)
    routed = routed_flat.reshape(b, s, d)
    return routed, expert_counts, routing_entropy

if __name__ == "__main__":
    import jax
    _d = setup_inputs()
    print(jax.jit(kernel)(*tuple(_d.values())))

</pallas_src>

<mosaic_0001>
#map = affine_map<(d0, d1) -> (0, 0)>
#map1 = affine_map<(d0, d1) -> (0)>
module attributes {stable_mosaic.version = 14 : i64} {
  func.func @_sc_gather_y(%arg0: i32, %arg1: i32, %arg2: memref<8192x512xi32, #tpu.memory_space<hbm>>, %arg3: memref<4096xi32, #tpu.memory_space<hbm>>, %arg4: memref<4096x512xi32, #tpu.memory_space<hbm>>, %arg5: memref<64xi32, #tpu.memory_space<vmem>>, %arg6: memref<64x512xi32, #tpu.memory_space<vmem>>, %arg7: memref<!tpu.dma_semaphore, #tpu.memory_space<semaphore_mem>>) attributes {dimension_semantics = [#tpu.dimension_semantics<core_parallel>, #tpu.dimension_semantics<subcore_parallel>], iteration_bounds = array<i64: 2, 16>, scalar_prefetch = 0 : i64, scratch_operands = 3 : i64, tpu.core_type = #tpu.core_type<sc_vector_subcore>, window_params = [{transform_indices = #map}, {transform_indices = #map1}, {transform_indices = #map}]} {
    %mul3A = arith.constant 2 : i32
    %mul3A_0 = arith.muli %arg1, %mul3A : i32
    %add3A = arith.addi %mul3A_0, %arg0 : i32
    %mul3A_1 = arith.constant 128 : i32
    %mul3A_2 = arith.muli %add3A, %mul3A_1 : i32
    %add3A_3 = arith.constant 0 : i32
    %add3A_4 = arith.addi %mul3A_2, %add3A_3 : i32
    "tpu.region"() ({
      %run_scoped3A = tpu.sem_alloc : memref<!tpu.dma_semaphore, #tpu.memory_space<semaphore_mem>>
      %dma_start3A_19 = tpu.memref_slice %arg3[%add3A_4] : memref<4096xi32, #tpu.memory_space<hbm>> -> memref<64xi32, #tpu.memory_space<hbm>>
      %dma_start3A_20 = tpu.memref_slice %arg3[%add3A_4] : memref<4096xi32, #tpu.memory_space<hbm>> -> memref<64xi32, #tpu.memory_space<hbm>>
      tpu.enqueue_dma source(%dma_start3A_20 : memref<64xi32, #tpu.memory_space<hbm>>) target(%arg5 : memref<64xi32, #tpu.memory_space<vmem>>) target_semaphore(%run_scoped3A : memref<!tpu.dma_semaphore, #tpu.memory_space<semaphore_mem>>)
      %dma_wait3A_21 = tpu.memref_slice %arg3[%add3A_4] : memref<4096xi32, #tpu.memory_space<hbm>> -> memref<64xi32, #tpu.memory_space<hbm>>
      %dma_wait3A_22 = tpu.memref_slice %arg3[%add3A_4] : memref<4096xi32, #tpu.memory_space<hbm>> -> memref<64xi32, #tpu.memory_space<hbm>>
      tpu.wait_dma2 semaphore(%run_scoped3A : memref<!tpu.dma_semaphore, #tpu.memory_space<semaphore_mem>>) src(%dma_wait3A_22 : memref<64xi32, #tpu.memory_space<hbm>>) dst(%arg5 : memref<64xi32, #tpu.memory_space<vmem>>)
      tpu.yield
    }) : () -> ()
    %dma_start3A = arith.constant 0 : i32
    %dma_start3A_5 = arith.constant 0 : i32
    %dma_start3A_6 = tpu.memref_slice %arg2[%dma_start3A, %dma_start3A_5] : memref<8192x512xi32, #tpu.memory_space<hbm>> -> memref<8192x512xi32, #tpu.memory_space<hbm>>
    tpu.enqueue_indirect_dma source(%dma_start3A_6 : memref<8192x512xi32, #tpu.memory_space<hbm>>) target(%arg6 : memref<64x512xi32, #tpu.memory_space<vmem>>) offsets(%arg5 : memref<64xi32, #tpu.memory_space<vmem>>) semaphore(%arg7 : memref<!tpu.dma_semaphore, #tpu.memory_space<semaphore_mem>>)
    %dma_wait3A = arith.constant 0 : i32
    %dma_wait3A_7 = arith.constant 0 : i32
    %dma_wait3A_8 = tpu.memref_slice %arg2[%dma_wait3A, %dma_wait3A_7] : memref<8192x512xi32, #tpu.memory_space<hbm>> -> memref<8192x512xi32, #tpu.memory_space<hbm>>
    tpu.wait_indirect_dma semaphore(%arg7 : memref<!tpu.dma_semaphore, #tpu.memory_space<semaphore_mem>>) src(%dma_wait3A_8 : memref<8192x512xi32, #tpu.memory_space<hbm>>) dst(%arg6 : memref<64x512xi32, #tpu.memory_space<vmem>>)
    "tpu.region"() ({
      %run_scoped3A = tpu.sem_alloc : memref<!tpu.dma_semaphore, #tpu.memory_space<semaphore_mem>>
      %dma_start3A_19 = arith.constant 0 : i32
      %dma_start3A_20 = tpu.memref_slice %arg4[%add3A_4, %dma_start3A_19] : memref<4096x512xi32, #tpu.memory_space<hbm>> -> memref<64x512xi32, #tpu.memory_space<hbm>>
      %dma_start3A_21 = arith.constant 0 : i32
      %dma_start3A_22 = tpu.memref_slice %arg4[%add3A_4, %dma_start3A_21] : memref<4096x512xi32, #tpu.memory_space<hbm>> -> memref<64x512xi32, #tpu.memory_space<hbm>>
      tpu.enqueue_dma source(%arg6 : memref<64x512xi32, #tpu.memory_space<vmem>>) target(%dma_start3A_22 : memref<64x512xi32, #tpu.memory_space<hbm>>) target_semaphore(%run_scoped3A : memref<!tpu.dma_semaphore, #tpu.memory_space<semaphore_mem>>)
      %dma_wait3A_23 = arith.constant 0 : i32
      %dma_wait3A_24 = tpu.memref_slice %arg4[%add3A_4, %dma_wait3A_23] : memref<4096x512xi32, #tpu.memory_space<hbm>> -> memref<64x512xi32, #tpu.memory_space<hbm>>
      %dma_wait3A_25 = arith.constant 0 : i32
      %dma_wait3A_26 = tpu.memref_slice %arg4[%add3A_4, %dma_wait3A_25] : memref<4096x512xi32, #tpu.memory_space<hbm>> -> memref<64x512xi32, #tpu.memory_space<hbm>>
      tpu.wait_dma2 semaphore(%run_scoped3A : memref<!tpu.dma_semaphore, #tpu.memory_space<semaphore_mem>>) src(%arg6 : memref<64x512xi32, #tpu.memory_space<vmem>>) dst(%dma_wait3A_26 : memref<64x512xi32, #tpu.memory_space<hbm>>)
      tpu.yield
    }) : () -> ()
    %mul3A_9 = arith.constant 128 : i32
    %mul3A_10 = arith.muli %add3A, %mul3A_9 : i32
    %add3A_11 = arith.constant 64 : i32
    %add3A_12 = arith.addi %mul3A_10, %add3A_11 : i32
    "tpu.region"() ({
      %run_scoped3A = tpu.sem_alloc : memref<!tpu.dma_semaphore, #tpu.memory_space<semaphore_mem>>
      %dma_start3A_19 = tpu.memref_slice %arg3[%add3A_12] : memref<4096xi32, #tpu.memory_space<hbm>> -> memref<64xi32, #tpu.memory_space<hbm>>
      %dma_start3A_20 = tpu.memref_slice %arg3[%add3A_12] : memref<4096xi32, #tpu.memory_space<hbm>> -> memref<64xi32, #tpu.memory_space<hbm>>
      tpu.enqueue_dma source(%dma_start3A_20 : memref<64xi32, #tpu.memory_space<hbm>>) target(%arg5 : memref<64xi32, #tpu.memory_space<vmem>>) target_semaphore(%run_scoped3A : memref<!tpu.dma_semaphore, #tpu.memory_space<semaphore_mem>>)
      %dma_wait3A_21 = tpu.memref_slice %arg3[%add3A_12] : memref<4096xi32, #tpu.memory_space<hbm>> -> memref<64xi32, #tpu.memory_space<hbm>>
      %dma_wait3A_22 = tpu.memref_slice %arg3[%add3A_12] : memref<4096xi32, #tpu.memory_space<hbm>> -> memref<64xi32, #tpu.memory_space<hbm>>
      tpu.wait_dma2 semaphore(%run_scoped3A : memref<!tpu.dma_semaphore, #tpu.memory_space<semaphore_mem>>) src(%dma_wait3A_22 : memref<64xi32, #tpu.memory_space<hbm>>) dst(%arg5 : memref<64xi32, #tpu.memory_space<vmem>>)
      tpu.yield
    }) : () -> ()
    %dma_start3A_13 = arith.constant 0 : i32
    %dma_start3A_14 = arith.constant 0 : i32
    %dma_start3A_15 = tpu.memref_slice %arg2[%dma_start3A_13, %dma_start3A_14] : memref<8192x512xi32, #tpu.memory_space<hbm>> -> memref<8192x512xi32, #tpu.memory_space<hbm>>
    tpu.enqueue_indirect_dma source(%dma_start3A_15 : memref<8192x512xi32, #tpu.memory_space<hbm>>) target(%arg6 : memref<64x512xi32, #tpu.memory_space<vmem>>) offsets(%arg5 : memref<64xi32, #tpu.memory_space<vmem>>) semaphore(%arg7 : memref<!tpu.dma_semaphore, #tpu.memory_space<semaphore_mem>>)
    %dma_wait3A_16 = arith.constant 0 : i32
    %dma_wait3A_17 = arith.constant 0 : i32
    %dma_wait3A_18 = tpu.memref_slice %arg2[%dma_wait3A_16, %dma_wait3A_17] : memref<8192x512xi32, #tpu.memory_space<hbm>> -> memref<8192x512xi32, #tpu.memory_space<hbm>>
    tpu.wait_indirect_dma semaphore(%arg7 : memref<!tpu.dma_semaphore, #tpu.memory_space<semaphore_mem>>) src(%dma_wait3A_18 : memref<8192x512xi32, #tpu.memory_space<hbm>>) dst(%arg6 : memref<64x512xi32, #tpu.memory_space<vmem>>)
    "tpu.region"() ({
      %run_scoped3A = tpu.sem_alloc : memref<!tpu.dma_semaphore, #tpu.memory_space<semaphore_mem>>
      %dma_start3A_19 = arith.constant 0 : i32
      %dma_start3A_20 = tpu.memref_slice %arg4[%add3A_12, %dma_start3A_19] : memref<4096x512xi32, #tpu.memory_space<hbm>> -> memref<64x512xi32, #tpu.memory_space<hbm>>
      %dma_start3A_21 = arith.constant 0 : i32
      %dma_start3A_22 = tpu.memref_slice %arg4[%add3A_12, %dma_start3A_21] : memref<4096x512xi32, #tpu.memory_space<hbm>> -> memref<64x512xi32, #tpu.memory_space<hbm>>
      tpu.enqueue_dma source(%arg6 : memref<64x512xi32, #tpu.memory_space<vmem>>) target(%dma_start3A_22 : memref<64x512xi32, #tpu.memory_space<hbm>>) target_semaphore(%run_scoped3A : memref<!tpu.dma_semaphore, #tpu.memory_space<semaphore_mem>>)
      %dma_wait3A_23 = arith.constant 0 : i32
      %dma_wait3A_24 = tpu.memref_slice %arg4[%add3A_12, %dma_wait3A_23] : memref<4096x512xi32, #tpu.memory_space<hbm>> -> memref<64x512xi32, #tpu.memory_space<hbm>>
      %dma_wait3A_25 = arith.constant 0 : i32
      %dma_wait3A_26 = tpu.memref_slice %arg4[%add3A_12, %dma_wait3A_25] : memref<4096x512xi32, #tpu.memory_space<hbm>> -> memref<64x512xi32, #tpu.memory_space<hbm>>
      tpu.wait_dma2 semaphore(%run_scoped3A : memref<!tpu.dma_semaphore, #tpu.memory_space<semaphore_mem>>) src(%arg6 : memref<64x512xi32, #tpu.memory_space<vmem>>) dst(%dma_wait3A_26 : memref<64x512xi32, #tpu.memory_space<hbm>>)
      tpu.yield
    }) : () -> ()
    return
  }
}

#map = affine_map<(d0, d1) -> (0, 0)>
#map1 = affine_map<(d0, d1) -> (0)>
module attributes {stable_mosaic.version = 14 : i64} {
  func.func @_sc_scatter_x(%arg0: i32, %arg1: i32, %arg2: memref<2048x512xi32, #tpu.memory_space<hbm>>, %arg3: memref<4096xi32, #tpu.memory_space<hbm>>, %arg4: memref<4096xi32, #tpu.memory_space<hbm>>, %arg5: memref<8192x512xi32, #tpu.memory_space<hbm>>, %arg6: memref<64xi32, #tpu.memory_space<vmem>>, %arg7: memref<64xi32, #tpu.memory_space<vmem>>, %arg8: memref<64x512xi32, #tpu.memory_space<vmem>>, %arg9: memref<!tpu.dma_semaphore, #tpu.memory_space<semaphore_mem>>) attributes {dimension_semantics = [#tpu.dimension_semantics<core_parallel>, #tpu.dimension_semantics<subcore_parallel>], iteration_bounds = array<i64: 2, 16>, scalar_prefetch = 0 : i64, scratch_operands = 4 : i64, tpu.core_type = #tpu.core_type<sc_vector_subcore>, window_params = [{transform_indices = #map}, {transform_indices = #map1}, {transform_indices = #map1}, {transform_indices = #map}]} {
    %mul3A = arith.constant 2 : i32
    %mul3A_0 = arith.muli %arg1, %mul3A : i32
    %add3A = arith.addi %mul3A_0, %arg0 : i32
    %mul3A_1 = arith.constant 128 : i32
    %mul3A_2 = arith.muli %add3A, %mul3A_1 : i32
    %add3A_3 = arith.constant 0 : i32
    %add3A_4 = arith.addi %mul3A_2, %add3A_3 : i32
    "tpu.region"() ({
      %run_scoped3A = tpu.sem_alloc : memref<!tpu.dma_semaphore, #tpu.memory_space<semaphore_mem>>
      %dma_start3A_31 = tpu.memref_slice %arg3[%add3A_4] : memref<4096xi32, #tpu.memory_space<hbm>> -> memref<64xi32, #tpu.memory_space<hbm>>
      %dma_start3A_32 = tpu.memref_slice %arg3[%add3A_4] : memref<4096xi32, #tpu.memory_space<hbm>> -> memref<64xi32, #tpu.memory_space<hbm>>
      tpu.enqueue_dma source(%dma_start3A_32 : memref<64xi32, #tpu.memory_space<hbm>>) target(%arg7 : memref<64xi32, #tpu.memory_space<vmem>>) target_semaphore(%run_scoped3A : memref<!tpu.dma_semaphore, #tpu.memory_space<semaphore_mem>>)
      %dma_wait3A_33 = tpu.memref_slice %arg3[%add3A_4] : memref<4096xi32, #tpu.memory_space<hbm>> -> memref<64xi32, #tpu.memory_space<hbm>>
      %dma_wait3A_34 = tpu.memref_slice %arg3[%add3A_4] : memref<4096xi32, #tpu.memory_space<hbm>> -> memref<64xi32, #tpu.memory_space<hbm>>
      tpu.wait_dma2 semaphore(%run_scoped3A : memref<!tpu.dma_semaphore, #tpu.memory_space<semaphore_mem>>) src(%dma_wait3A_34 : memref<64xi32, #tpu.memory_space<hbm>>) dst(%arg7 : memref<64xi32, #tpu.memory_space<vmem>>)
      tpu.yield
    }) : () -> ()
    "tpu.region"() ({
      %run_scoped3A = tpu.sem_alloc : memref<!tpu.dma_semaphore, #tpu.memory_space<semaphore_mem>>
      %dma_start3A_31 = tpu.memref_slice %arg4[%add3A_4] : memref<4096xi32, #tpu.memory_space<hbm>> -> memref<64xi32, #tpu.memory_space<hbm>>
      %dma_start3A_32 = tpu.memref_slice %arg4[%add3A_4] : memref<4096xi32, #tpu.memory_space<hbm>> -> memref<64xi32, #tpu.memory_space<hbm>>
      tpu.enqueue_dma source(%dma_start3A_32 : memref<64xi32, #tpu.memory_space<hbm>>) target(%arg6 : memref<64xi32, #tpu.memory_space<vmem>>) target_semaphore(%run_scoped3A : memref<!tpu.dma_semaphore, #tpu.memory_space<semaphore_mem>>)
      %dma_wait3A_33 = tpu.memref_slice %arg4[%add3A_4] : memref<4096xi32, #tpu.memory_space<hbm>> -> memref<64xi32, #tpu.memory_space<hbm>>
      %dma_wait3A_34 = tpu.memref_slice %arg4[%add3A_4] : memref<4096xi32, #tpu.memory_space<hbm>> -> memref<64xi32, #tpu.memory_space<hbm>>
      tpu.wait_dma2 semaphore(%run_scoped3A : memref<!tpu.dma_semaphore, #tpu.memory_space<semaphore_mem>>) src(%dma_wait3A_34 : memref<64xi32, #tpu.memory_space<hbm>>) dst(%arg6 : memref<64xi32, #tpu.memory_space<vmem>>)
      tpu.yield
    }) : () -> ()
    %dma_start3A = arith.constant 0 : i32
    %dma_start3A_5 = arith.constant 0 : i32
    %dma_start3A_6 = tpu.memref_slice %arg2[%dma_start3A, %dma_start3A_5] : memref<2048x512xi32, #tpu.memory_space<hbm>> -> memref<2048x512xi32, #tpu.memory_space<hbm>>
    tpu.enqueue_indirect_dma source(%dma_start3A_6 : memref<2048x512xi32, #tpu.memory_space<hbm>>) target(%arg8 : memref<64x512xi32, #tpu.memory_space<vmem>>) offsets(%arg6 : memref<64xi32, #tpu.memory_space<vmem>>) semaphore(%arg9 : memref<!tpu.dma_semaphore, #tpu.memory_space<semaphore_mem>>)
    %dma_wait3A = arith.constant 0 : i32
    %dma_wait3A_7 = arith.constant 0 : i32
    %dma_wait3A_8 = tpu.memref_slice %arg2[%dma_wait3A, %dma_wait3A_7] : memref<2048x512xi32, #tpu.memory_space<hbm>> -> memref<2048x512xi32, #tpu.memory_space<hbm>>
    tpu.wait_indirect_dma semaphore(%arg9 : memref<!tpu.dma_semaphore, #tpu.memory_space<semaphore_mem>>) src(%dma_wait3A_8 : memref<2048x512xi32, #tpu.memory_space<hbm>>) dst(%arg8 : memref<64x512xi32, #tpu.memory_space<vmem>>)
    %dma_start3A_9 = arith.constant 0 : i32
    %dma_start3A_10 = arith.constant 0 : i32
    %dma_start3A_11 = tpu.memref_slice %arg5[%dma_start3A_9, %dma_start3A_10] : memref<8192x512xi32, #tpu.memory_space<hbm>> -> memref<8192x512xi32, #tpu.memory_space<hbm>>
    tpu.enqueue_indirect_dma source(%arg8 : memref<64x512xi32, #tpu.memory_space<vmem>>) target(%dma_start3A_11 : memref<8192x512xi32, #tpu.memory_space<hbm>>) offsets(%arg7 : memref<64xi32, #tpu.memory_space<vmem>>) semaphore(%arg9 : memref<!tpu.dma_semaphore, #tpu.memory_space<semaphore_mem>>)
    %dma_wait3A_12 = arith.constant 0 : i32
    %dma_wait3A_13 = arith.constant 0 : i32
    %dma_wait3A_14 = tpu.memref_slice %arg5[%dma_wait3A_12, %dma_wait3A_13] : memref<8192x512xi32, #tpu.memory_space<hbm>> -> memref<8192x512xi32, #tpu.memory_space<hbm>>
    tpu.wait_indirect_dma semaphore(%arg9 : memref<!tpu.dma_semaphore, #tpu.memory_space<semaphore_mem>>) src(%arg8 : memref<64x512xi32, #tpu.memory_space<vmem>>) dst(%dma_wait3A_14 : memref<8192x512xi32, #tpu.memory_space<hbm>>)
    %mul3A_15 = arith.constant 128 : i32
    %mul3A_16 = arith.muli %add3A, %mul3A_15 : i32
    %add3A_17 = arith.constant 64 : i32
    %add3A_18 = arith.addi %mul3A_16, %add3A_17 : i32
    "tpu.region"() ({
      %run_scoped3A = tpu.sem_alloc : memref<!tpu.dma_semaphore, #tpu.memory_space<semaphore_mem>>
      %dma_start3A_31 = tpu.memref_slice %arg3[%add3A_18] : memref<4096xi32, #tpu.memory_space<hbm>> -> memref<64xi32, #tpu.memory_space<hbm>>
      %dma_start3A_32 = tpu.memref_slice %arg3[%add3A_18] : memref<4096xi32, #tpu.memory_space<hbm>> -> memref<64xi32, #tpu.memory_space<hbm>>
      tpu.enqueue_dma source(%dma_start3A_32 : memref<64xi32, #tpu.memory_space<hbm>>) target(%arg7 : memref<64xi32, #tpu.memory_space<vmem>>) target_semaphore(%run_scoped3A : memref<!tpu.dma_semaphore, #tpu.memory_space<semaphore_mem>>)
      %dma_wait3A_33 = tpu.memref_slice %arg3[%add3A_18] : memref<4096xi32, #tpu.memory_space<hbm>> -> memref<64xi32, #tpu.memory_space<hbm>>
      %dma_wait3A_34 = tpu.memref_slice %arg3[%add3A_18] : memref<4096xi32, #tpu.memory_space<hbm>> -> memref<64xi32, #tpu.memory_space<hbm>>
      tpu.wait_dma2 semaphore(%run_scoped3A : memref<!tpu.dma_semaphore, #tpu.memory_space<semaphore_mem>>) src(%dma_wait3A_34 : memref<64xi32, #tpu.memory_space<hbm>>) dst(%arg7 : memref<64xi32, #tpu.memory_space<vmem>>)
      tpu.yield
    }) : () -> ()
    "tpu.region"() ({
      %run_scoped3A = tpu.sem_alloc : memref<!tpu.dma_semaphore, #tpu.memory_space<semaphore_mem>>
      %dma_start3A_31 = tpu.memref_slice %arg4[%add3A_18] : memref<4096xi32, #tpu.memory_space<hbm>> -> memref<64xi32, #tpu.memory_space<hbm>>
      %dma_start3A_32 = tpu.memref_slice %arg4[%add3A_18] : memref<4096xi32, #tpu.memory_space<hbm>> -> memref<64xi32, #tpu.memory_space<hbm>>
      tpu.enqueue_dma source(%dma_start3A_32 : memref<64xi32, #tpu.memory_space<hbm>>) target(%arg6 : memref<64xi32, #tpu.memory_space<vmem>>) target_semaphore(%run_scoped3A : memref<!tpu.dma_semaphore, #tpu.memory_space<semaphore_mem>>)
      %dma_wait3A_33 = tpu.memref_slice %arg4[%add3A_18] : memref<4096xi32, #tpu.memory_space<hbm>> -> memref<64xi32, #tpu.memory_space<hbm>>
      %dma_wait3A_34 = tpu.memref_slice %arg4[%add3A_18] : memref<4096xi32, #tpu.memory_space<hbm>> -> memref<64xi32, #tpu.memory_space<hbm>>
      tpu.wait_dma2 semaphore(%run_scoped3A : memref<!tpu.dma_semaphore, #tpu.memory_space<semaphore_mem>>) src(%dma_wait3A_34 : memref<64xi32, #tpu.memory_space<hbm>>) dst(%arg6 : memref<64xi32, #tpu.memory_space<vmem>>)
      tpu.yield
    }) : () -> ()
    %dma_start3A_19 = arith.constant 0 : i32
    %dma_start3A_20 = arith.constant 0 : i32
    %dma_start3A_21 = tpu.memref_slice %arg2[%dma_start3A_19, %dma_start3A_20] : memref<2048x512xi32, #tpu.memory_space<hbm>> -> memref<2048x512xi32, #tpu.memory_space<hbm>>
    tpu.enqueue_indirect_dma source(%dma_start3A_21 : memref<2048x512xi32, #tpu.memory_space<hbm>>) target(%arg8 : memref<64x512xi32, #tpu.memory_space<vmem>>) offsets(%arg6 : memref<64xi32, #tpu.memory_space<vmem>>) semaphore(%arg9 : memref<!tpu.dma_semaphore, #tpu.memory_space<semaphore_mem>>)
    %dma_wait3A_22 = arith.constant 0 : i32
    %dma_wait3A_23 = arith.constant 0 : i32
    %dma_wait3A_24 = tpu.memref_slice %arg2[%dma_wait3A_22, %dma_wait3A_23] : memref<2048x512xi32, #tpu.memory_space<hbm>> -> memref<2048x512xi32, #tpu.memory_space<hbm>>
    tpu.wait_indirect_dma semaphore(%arg9 : memref<!tpu.dma_semaphore, #tpu.memory_space<semaphore_mem>>) src(%dma_wait3A_24 : memref<2048x512xi32, #tpu.memory_space<hbm>>) dst(%arg8 : memref<64x512xi32, #tpu.memory_space<vmem>>)
    %dma_start3A_25 = arith.constant 0 : i32
    %dma_start3A_26 = arith.constant 0 : i32
    %dma_start3A_27 = tpu.memref_slice %arg5[%dma_start3A_25, %dma_start3A_26] : memref<8192x512xi32, #tpu.memory_space<hbm>> -> memref<8192x512xi32, #tpu.memory_space<hbm>>
    tpu.enqueue_indirect_dma source(%arg8 : memref<64x512xi32, #tpu.memory_space<vmem>>) target(%dma_start3A_27 : memref<8192x512xi32, #tpu.memory_space<hbm>>) offsets(%arg7 : memref<64xi32, #tpu.memory_space<vmem>>) semaphore(%arg9 : memref<!tpu.dma_semaphore, #tpu.memory_space<semaphore_mem>>)
    %dma_wait3A_28 = arith.constant 0 : i32
    %dma_wait3A_29 = arith.constant 0 : i32
    %dma_wait3A_30 = tpu.memref_slice %arg5[%dma_wait3A_28, %dma_wait3A_29] : memref<8192x512xi32, #tpu.memory_space<hbm>> -> memref<8192x512xi32, #tpu.memory_space<hbm>>
    tpu.wait_indirect_dma semaphore(%arg9 : memref<!tpu.dma_semaphore, #tpu.memory_space<semaphore_mem>>) src(%arg8 : memref<64x512xi32, #tpu.memory_space<vmem>>) dst(%dma_wait3A_30 : memref<8192x512xi32, #tpu.memory_space<hbm>>)
    return
  }
}

module attributes {stable_mosaic.version = 14 : i64} {
  func.func @_router_sort_kernel(%arg0: memref<2048x1024xf32, #tpu.memory_space<vmem>>, %arg1: memref<1024x16xf32, #tpu.memory_space<vmem>>, %arg2: memref<1x16xf32, #tpu.memory_space<vmem>>, %arg3: memref<2048x2xi32, #tpu.memory_space<vmem>>, %arg4: memref<2048x2xf32, #tpu.memory_space<vmem>>, %arg5: memref<1x16xf32, #tpu.memory_space<vmem>>, %arg6: memref<1x1xf32, #tpu.memory_space<vmem>>, %arg7: memref<32x1xi32, #tpu.memory_space<vmem>>, %arg8: memref<1x1xi32, #tpu.memory_space<vmem>>, %arg9: memref<2048x1024xbf16, #tpu.memory_space<vmem>>) attributes {dimension_semantics = [], scalar_prefetch = 0 : i64, scratch_operands = 0 : i64, tpu.core_type = #tpu.core_type<tc>} {
    %get3A = arith.constant 0 : index
    %get3A_0 = arith.constant 0 : index
    %get3A_1 = vector.load %arg0[%get3A, %get3A_0] : memref<2048x1024xf32, #tpu.memory_space<vmem>>, vector<2048x1024xf32>
    %convert_element_type3A = arith.truncf %get3A_1 : vector<2048x1024xf32> to vector<2048x1024xbf16>
    %swap3A = arith.constant 0 : index
    %swap3A_2 = arith.constant 0 : index
    %swap3A_3 = vector.load %arg9[%swap3A, %swap3A_2] : memref<2048x1024xbf16, #tpu.memory_space<vmem>>, vector<2048x1024xbf16>
    tpu.vector_store %arg9[%swap3A, %swap3A_2], %convert_element_type3A {strides = array<i32>} : memref<2048x1024xbf16, #tpu.memory_space<vmem>>, vector<2048x1024xbf16>,
    %get3A_4 = arith.constant 0 : index
    %get3A_5 = arith.constant 0 : index
    %get3A_6 = vector.load %arg1[%get3A_4, %get3A_5] : memref<1024x16xf32, #tpu.memory_space<vmem>>, vector<1024x16xf32>
    %dot_general3A = arith.constant dense<0.000000e+00> : vector<2048x16xf32>
    %dot_general3A_7 = tpu.matmul %get3A_1, %get3A_6, %dot_general3A {dimension_numbers = #tpu.dot_dimension_numbers<[1], [0], [0], [1], [0, 0, 1, 1], [], []>, transpose_lhs_hint = false} : vector<2048x1024xf32>, vector<1024x16xf32>, vector<2048x16xf32> -> vector<2048x16xf32>
    %get3A_8 = arith.constant 0 : index
    %get3A_9 = arith.constant 0 : index
    %get3A_10 = vector.load %arg2[%get3A_8, %get3A_9] : memref<1x16xf32, #tpu.memory_space<vmem>>, vector<1x16xf32>
    %add3A = vector.broadcast %get3A_10 : vector<1x16xf32> to vector<2048x16xf32>
    %add3A_11 = arith.addf %dot_general3A_7, %add3A : vector<2048x16xf32>
    %iota3A = tpu.iota {dimensions = array<i32: 1>} : vector<2048x16xi32>
    %reduce_max3A = arith.constant dense<0xFF800000> : vector<2048xf32>
    %reduce_max3A_12 = vector.multi_reduction <maximumf>, %add3A_11, %reduce_max3A [1] : vector<2048x16xf32> to vector<2048xf32>
    %broadcast_in_dim3A = vector.shape_cast %reduce_max3A_12 : vector<2048xf32> to vector<2048x1xf32>
    %eq3A = vector.broadcast %broadcast_in_dim3A : vector<2048x1xf32> to vector<2048x16xf32>
    %eq3A_13 = arith.cmpf oeq, %add3A_11, %eq3A : vector<2048x16xf32>
    %jit3A = arith.constant 16 : i32
    %broadcast_in_dim3A_14 = vector.broadcast %jit3A : i32 to vector<2048x16xi32>
    %select_n3A = arith.select %eq3A_13, %iota3A, %broadcast_in_dim3A_14 : vector<2048x16xi1>, vector<2048x16xi32>
    %reduce_min3A = arith.constant dense<2147483647> : vector<2048xi32>
    %reduce_min3A_15 = vector.multi_reduction <minsi>, %select_n3A, %reduce_min3A [1] : vector<2048x16xi32> to vector<2048xi32>
    %broadcast_in_dim3A_16 = vector.shape_cast %reduce_min3A_15 : vector<2048xi32> to vector<2048x1xi32>
    %eq3A_17 = vector.broadcast %broadcast_in_dim3A_16 : vector<2048x1xi32> to vector<2048x16xi32>
    %eq3A_18 = arith.cmpi eq, %iota3A, %eq3A_17 : vector<2048x16xi32>
    %jit3A_19 = arith.constant -1.000000e+30 : f32
    %broadcast_in_dim3A_20 = vector.broadcast %jit3A_19 : f32 to vector<2048x16xf32>
    %select_n3A_21 = arith.select %eq3A_18, %broadcast_in_dim3A_20, %add3A_11 : vector<2048x16xi1>, vector<2048x16xf32>
    %reduce_max3A_22 = arith.constant dense<0xFF800000> : vector<2048xf32>
    %reduce_max3A_23 = vector.multi_reduction <maximumf>, %select_n3A_21, %reduce_max3A_22 [1] : vector<2048x16xf32> to vector<2048xf32>
    %broadcast_in_dim3A_24 = vector.shape_cast %reduce_max3A_23 : vector<2048xf32> to vector<2048x1xf32>
    %eq3A_25 = vector.broadcast %broadcast_in_dim3A_24 : vector<2048x1xf32> to vector<2048x16xf32>
    %eq3A_26 = arith.cmpf oeq, %select_n3A_21, %eq3A_25 : vector<2048x16xf32>
    %jit3A_27 = arith.constant 16 : i32
    %broadcast_in_dim3A_28 = vector.broadcast %jit3A_27 : i32 to vector<2048x16xi32>
    %select_n3A_29 = arith.select %eq3A_26, %iota3A, %broadcast_in_dim3A_28 : vector<2048x16xi1>, vector<2048x16xi32>
    %reduce_min3A_30 = arith.constant dense<2147483647> : vector<2048xi32>
    %reduce_min3A_31 = vector.multi_reduction <minsi>, %select_n3A_29, %reduce_min3A_30 [1] : vector<2048x16xi32> to vector<2048xi32>
    %broadcast_in_dim3A_32 = vector.shape_cast %reduce_min3A_31 : vector<2048xi32> to vector<2048x1xi32>
    %eq3A_33 = vector.broadcast %broadcast_in_dim3A_16 : vector<2048x1xi32> to vector<2048x16xi32>
    %eq3A_34 = arith.cmpi eq, %iota3A, %eq3A_33 : vector<2048x16xi32>
    %convert_element_type3A_35 = arith.extui %eq3A_34 : vector<2048x16xi1> to vector<2048x16xi32>
    %convert_element_type3A_36 = arith.sitofp %convert_element_type3A_35 : vector<2048x16xi32> to vector<2048x16xf32>
    %eq3A_37 = vector.broadcast %broadcast_in_dim3A_32 : vector<2048x1xi32> to vector<2048x16xi32>
    %eq3A_38 = arith.cmpi eq, %iota3A, %eq3A_37 : vector<2048x16xi32>
    %convert_element_type3A_39 = arith.extui %eq3A_38 : vector<2048x16xi1> to vector<2048x16xi32>
    %convert_element_type3A_40 = arith.sitofp %convert_element_type3A_39 : vector<2048x16xi32> to vector<2048x16xf32>
    %eq3A_41 = vector.broadcast %broadcast_in_dim3A_16 : vector<2048x1xi32> to vector<2048x16xi32>
    %eq3A_42 = arith.cmpi eq, %iota3A, %eq3A_41 : vector<2048x16xi32>
    %jit3A_43 = arith.constant 0.000000e+00 : f32
    %broadcast_in_dim3A_44 = vector.broadcast %jit3A_43 : f32 to vector<2048x16xf32>
    %select_n3A_45 = arith.select %eq3A_42, %dot_general3A_7, %broadcast_in_dim3A_44 : vector<2048x16xi1>, vector<2048x16xf32>
    %reduce_sum3A = arith.constant dense<0.000000e+00> : vector<2048xf32>
    %reduce_sum3A_46 = vector.multi_reduction <add>, %select_n3A_45, %reduce_sum3A [1] : vector<2048x16xf32> to vector<2048xf32>
    %broadcast_in_dim3A_47 = vector.shape_cast %reduce_sum3A_46 : vector<2048xf32> to vector<2048x1xf32>
    %eq3A_48 = vector.broadcast %broadcast_in_dim3A_32 : vector<2048x1xi32> to vector<2048x16xi32>
    %eq3A_49 = arith.cmpi eq, %iota3A, %eq3A_48 : vector<2048x16xi32>
    %jit3A_50 = arith.constant 0.000000e+00 : f32
    %broadcast_in_dim3A_51 = vector.broadcast %jit3A_50 : f32 to vector<2048x16xf32>
    %select_n3A_52 = arith.select %eq3A_49, %dot_general3A_7, %broadcast_in_dim3A_51 : vector<2048x16xi1>, vector<2048x16xf32>
    %reduce_sum3A_53 = arith.constant dense<0.000000e+00> : vector<2048xf32>
    %reduce_sum3A_54 = vector.multi_reduction <add>, %select_n3A_52, %reduce_sum3A_53 [1] : vector<2048x16xf32> to vector<2048xf32>
    %broadcast_in_dim3A_55 = vector.shape_cast %reduce_sum3A_54 : vector<2048xf32> to vector<2048x1xf32>
    %logistic3A = arith.negf %broadcast_in_dim3A_47 : vector<2048x1xf32>
    %logistic3A_56 = math.exp %logistic3A : vector<2048x1xf32>
    %logistic3A_57 = arith.constant 1.000000e+00 : f32
    %logistic3A_58 = vector.broadcast %logistic3A_57 : f32 to vector<2048x1xf32>
    %logistic3A_59 = arith.addf %logistic3A_58, %logistic3A_56 : vector<2048x1xf32>
    %logistic3A_60 = arith.divf %logistic3A_58, %logistic3A_59 : vector<2048x1xf32>
    %logistic3A_61 = arith.negf %broadcast_in_dim3A_55 : vector<2048x1xf32>
    %logistic3A_62 = math.exp %logistic3A_61 : vector<2048x1xf32>
    %logistic3A_63 = arith.constant 1.000000e+00 : f32
    %logistic3A_64 = vector.broadcast %logistic3A_63 : f32 to vector<2048x1xf32>
    %logistic3A_65 = arith.addf %logistic3A_64, %logistic3A_62 : vector<2048x1xf32>
    %logistic3A_66 = arith.divf %logistic3A_64, %logistic3A_65 : vector<2048x1xf32>
    %add3A_67 = arith.addf %logistic3A_60, %logistic3A_66 : vector<2048x1xf32>
    %div3A = arith.divf %logistic3A_60, %add3A_67 : vector<2048x1xf32>
    %div3A_68 = arith.divf %logistic3A_66, %add3A_67 : vector<2048x1xf32>
    %concatenate3A = tpu.concatenate %div3A, %div3A_68 in 1 : vector<2048x1xf32>, vector<2048x1xf32> -> vector<2048x2xf32>
    %swap3A_69 = arith.constant 0 : index
    %swap3A_70 = arith.constant 0 : index
    %swap3A_71 = vector.load %arg4[%swap3A_69, %swap3A_70] : memref<2048x2xf32, #tpu.memory_space<vmem>>, vector<2048x2xf32>
    tpu.vector_store %arg4[%swap3A_69, %swap3A_70], %concatenate3A {strides = array<i32>} : memref<2048x2xf32, #tpu.memory_space<vmem>>, vector<2048x2xf32>,
    %add3A_72 = arith.addf %convert_element_type3A_36, %convert_element_type3A_40 : vector<2048x16xf32>
    %reduce_sum3A_73 = arith.constant dense<0.000000e+00> : vector<16xf32>
    %reduce_sum3A_74 = vector.multi_reduction <add>, %add3A_72, %reduce_sum3A_73 [0] : vector<2048x16xf32> to vector<16xf32>
    %broadcast_in_dim3A_75 = vector.shape_cast %reduce_sum3A_74 : vector<16xf32> to vector<1x16xf32>
    %swap3A_76 = arith.constant 0 : index
    %swap3A_77 = arith.constant 0 : index
    %swap3A_78 = vector.load %arg5[%swap3A_76, %swap3A_77] : memref<1x16xf32, #tpu.memory_space<vmem>>, vector<1x16xf32>
    tpu.vector_store %arg5[%swap3A_76, %swap3A_77], %broadcast_in_dim3A_75 {strides = array<i32>} : memref<1x16xf32, #tpu.memory_space<vmem>>, vector<1x16xf32>,
    %reduce_sum3A_79 = vector.shape_cast %broadcast_in_dim3A_75 : vector<1x16xf32> to vector<1x1x16xf32>
    %reduce_sum3A_80 = arith.constant dense<0.000000e+00> : vector<1xf32>
    %reduce_sum3A_81 = vector.multi_reduction <add>, %reduce_sum3A_79, %reduce_sum3A_80 [1, 2] : vector<1x1x16xf32> to vector<1xf32>
    %reduce_sum3A_82 = vector.shape_cast %reduce_sum3A_81 : vector<1xf32> to vector<1x1x1xf32>
    %reduce_sum3A_83 = vector.extract %reduce_sum3A_82[0, 0, 0] : f32 from vector<1x1x1xf32>
    %max3A = arith.constant 1.000000e+00 : f32
    %max3A_84 = arith.maximumf %reduce_sum3A_83, %max3A : f32
    %div3A_85 = vector.broadcast %max3A_84 : f32 to vector<1x16xf32>
    %div3A_86 = arith.divf %broadcast_in_dim3A_75, %div3A_85 : vector<1x16xf32>
    %add3A_87 = arith.constant 9.99999997E-7 : f32
    %add3A_88 = vector.broadcast %add3A_87 : f32 to vector<1x16xf32>
    %add3A_89 = arith.addf %div3A_86, %add3A_88 : vector<1x16xf32>
    %log3A = math.log %add3A_89 : vector<1x16xf32>
    %mul3A = arith.mulf %div3A_86, %log3A : vector<1x16xf32>
    %reduce_sum3A_90 = vector.shape_cast %mul3A : vector<1x16xf32> to vector<1x1x16xf32>
    %reduce_sum3A_91 = arith.constant dense<0.000000e+00> : vector<1xf32>
    %reduce_sum3A_92 = vector.multi_reduction <add>, %reduce_sum3A_90, %reduce_sum3A_91 [1, 2] : vector<1x1x16xf32> to vector<1xf32>
    %reduce_sum3A_93 = vector.shape_cast %reduce_sum3A_92 : vector<1xf32> to vector<1x1x1xf32>
    %reduce_sum3A_94 = vector.extract %reduce_sum3A_93[0, 0, 0] : f32 from vector<1x1x1xf32>
    %broadcast_in_dim3A_95 = vector.broadcast %reduce_sum3A_94 : f32 to vector<1x1xf32>
    %neg3A = arith.constant 0.000000e+00 : f32
    %neg3A_96 = vector.broadcast %neg3A : f32 to vector<1x1xf32>
    %neg3A_97 = arith.subf %neg3A_96, %broadcast_in_dim3A_95 : vector<1x1xf32>
    %swap3A_98 = arith.constant 0 : index
    %swap3A_99 = arith.constant 0 : index
    %swap3A_100 = vector.load %arg6[%swap3A_98, %swap3A_99] : memref<1x1xf32, #tpu.memory_space<vmem>>, vector<1x1xf32>
    tpu.vector_store %arg6[%swap3A_98, %swap3A_99], %neg3A_97 {strides = array<i32>} : memref<1x1xf32, #tpu.memory_space<vmem>>, vector<1x1xf32>,
    %iota3A_101 = tpu.iota {dimensions = array<i32: 0>} : vector<512x512xi32>
    %iota3A_102 = tpu.iota {dimensions = array<i32: 1>} : vector<512x512xi32>
    %lt3A = arith.cmpi slt, %iota3A_102, %iota3A_101 : vector<512x512xi32>
    %convert_element_type3A_103 = arith.extui %lt3A : vector<512x512xi1> to vector<512x512xi32>
    %convert_element_type3A_104 = arith.sitofp %convert_element_type3A_103 : vector<512x512xi32> to vector<512x512xf32>
    %broadcast_in_dim3A_105 = arith.constant 0.000000e+00 : f32
    %broadcast_in_dim3A_106 = vector.broadcast %broadcast_in_dim3A_105 : f32 to vector<1x16xf32>
    %slice3A = vector.extract_strided_slice %add3A_72 {offsets = [0, 0], sizes = [512, 16], strides = [1, 1]} : vector<2048x16xf32> to vector<512x16xf32>
    %dot_general3A_107 = arith.constant dense<0.000000e+00> : vector<512x16xf32>
    %dot_general3A_108 = tpu.matmul %convert_element_type3A_104, %slice3A, %dot_general3A_107 {dimension_numbers = #tpu.dot_dimension_numbers<[1], [0], [0], [1], [0, 0, 1, 1], [], []>, transpose_lhs_hint = false} : vector<512x512xf32>, vector<512x16xf32>, vector<512x16xf32> -> vector<512x16xf32>
    %add3A_109 = vector.broadcast %broadcast_in_dim3A_106 : vector<1x16xf32> to vector<512x16xf32>
    %add3A_110 = arith.addf %dot_general3A_108, %add3A_109 : vector<512x16xf32>
    %reduce_sum3A_111 = arith.constant dense<0.000000e+00> : vector<16xf32>
    %reduce_sum3A_112 = vector.multi_reduction <add>, %slice3A, %reduce_sum3A_111 [0] : vector<512x16xf32> to vector<16xf32>
    %broadcast_in_dim3A_113 = vector.shape_cast %reduce_sum3A_112 : vector<16xf32> to vector<1x16xf32>
    %add3A_114 = arith.addf %broadcast_in_dim3A_106, %broadcast_in_dim3A_113 : vector<1x16xf32>
    %slice3A_115 = vector.extract_strided_slice %add3A_72 {offsets = [512, 0], sizes = [512, 16], strides = [1, 1]} : vector<2048x16xf32> to vector<512x16xf32>
    %dot_general3A_116 = arith.constant dense<0.000000e+00> : vector<512x16xf32>
    %dot_general3A_117 = tpu.matmul %convert_element_type3A_104, %slice3A_115, %dot_general3A_116 {dimension_numbers = #tpu.dot_dimension_numbers<[1], [0], [0], [1], [0, 0, 1, 1], [], []>, transpose_lhs_hint = false} : vector<512x512xf32>, vector<512x16xf32>, vector<512x16xf32> -> vector<512x16xf32>
    %add3A_118 = vector.broadcast %add3A_114 : vector<1x16xf32> to vector<512x16xf32>
    %add3A_119 = arith.addf %dot_general3A_117, %add3A_118 : vector<512x16xf32>
    %reduce_sum3A_120 = arith.constant dense<0.000000e+00> : vector<16xf32>
    %reduce_sum3A_121 = vector.multi_reduction <add>, %slice3A_115, %reduce_sum3A_120 [0] : vector<512x16xf32> to vector<16xf32>
    %broadcast_in_dim3A_122 = vector.shape_cast %reduce_sum3A_121 : vector<16xf32> to vector<1x16xf32>
    %add3A_123 = arith.addf %add3A_114, %broadcast_in_dim3A_122 : vector<1x16xf32>
    %slice3A_124 = vector.extract_strided_slice %add3A_72 {offsets = [1024, 0], sizes = [512, 16], strides = [1, 1]} : vector<2048x16xf32> to vector<512x16xf32>
    %dot_general3A_125 = arith.constant dense<0.000000e+00> : vector<512x16xf32>
    %dot_general3A_126 = tpu.matmul %convert_element_type3A_104, %slice3A_124, %dot_general3A_125 {dimension_numbers = #tpu.dot_dimension_numbers<[1], [0], [0], [1], [0, 0, 1, 1], [], []>, transpose_lhs_hint = false} : vector<512x512xf32>, vector<512x16xf32>, vector<512x16xf32> -> vector<512x16xf32>
    %add3A_127 = vector.broadcast %add3A_123 : vector<1x16xf32> to vector<512x16xf32>
    %add3A_128 = arith.addf %dot_general3A_126, %add3A_127 : vector<512x16xf32>
    %reduce_sum3A_129 = arith.constant dense<0.000000e+00> : vector<16xf32>
    %reduce_sum3A_130 = vector.multi_reduction <add>, %slice3A_124, %reduce_sum3A_129 [0] : vector<512x16xf32> to vector<16xf32>
    %broadcast_in_dim3A_131 = vector.shape_cast %reduce_sum3A_130 : vector<16xf32> to vector<1x16xf32>
    %add3A_132 = arith.addf %add3A_123, %broadcast_in_dim3A_131 : vector<1x16xf32>
    %slice3A_133 = vector.extract_strided_slice %add3A_72 {offsets = [1536, 0], sizes = [512, 16], strides = [1, 1]} : vector<2048x16xf32> to vector<512x16xf32>
    %dot_general3A_134 = arith.constant dense<0.000000e+00> : vector<512x16xf32>
    %dot_general3A_135 = tpu.matmul %convert_element_type3A_104, %slice3A_133, %dot_general3A_134 {dimension_numbers = #tpu.dot_dimension_numbers<[1], [0], [0], [1], [0, 0, 1, 1], [], []>, transpose_lhs_hint = false} : vector<512x512xf32>, vector<512x16xf32>, vector<512x16xf32> -> vector<512x16xf32>
    %add3A_136 = vector.broadcast %add3A_132 : vector<1x16xf32> to vector<512x16xf32>
    %add3A_137 = arith.addf %dot_general3A_135, %add3A_136 : vector<512x16xf32>
    %concatenate3A_138 = tpu.concatenate %add3A_110, %add3A_119, %add3A_128, %add3A_137 in 0 : vector<512x16xf32>, vector<512x16xf32>, vector<512x16xf32>, vector<512x16xf32> -> vector<2048x16xf32>
    %div3A_139 = arith.constant 2.560000e+02 : f32
    %div3A_140 = vector.broadcast %div3A_139 : f32 to vector<1x16xf32>
    %div3A_141 = arith.divf %broadcast_in_dim3A_75, %div3A_140 : vector<1x16xf32>
    %ceil3A = math.ceil %div3A_141 : vector<1x16xf32>
    %mul3A_142 = arith.constant 2.560000e+02 : f32
    %mul3A_143 = vector.broadcast %mul3A_142 : f32 to vector<1x16xf32>
    %mul3A_144 = arith.mulf %ceil3A, %mul3A_143 : vector<1x16xf32>
    %iota3A_145 = tpu.iota {dimensions = array<i32: 0>} : vector<16x16xi32>
    %iota3A_146 = tpu.iota {dimensions = array<i32: 1>} : vector<16x16xi32>
    %lt3A_147 = arith.cmpi slt, %iota3A_145, %iota3A_146 : vector<16x16xi32>
    %convert_element_type3A_148 = arith.extui %lt3A_147 : vector<16x16xi1> to vector<16x16xi32>
    %convert_element_type3A_149 = arith.sitofp %convert_element_type3A_148 : vector<16x16xi32> to vector<16x16xf32>
    %dot_general3A_150 = arith.constant dense<0.000000e+00> : vector<1x16xf32>
    %dot_general3A_151 = tpu.matmul %mul3A_144, %convert_element_type3A_149, %dot_general3A_150 {dimension_numbers = #tpu.dot_dimension_numbers<[1], [0], [0], [1], [0, 0, 1, 1], [], []>, transpose_lhs_hint = false} : vector<1x16xf32>, vector<16x16xf32>, vector<1x16xf32> -> vector<1x16xf32>
    %add3A_152 = vector.broadcast %dot_general3A_151 : vector<1x16xf32> to vector<2048x16xf32>
    %add3A_153 = arith.addf %add3A_152, %concatenate3A_138 : vector<2048x16xf32>
    %eq3A_154 = vector.broadcast %broadcast_in_dim3A_16 : vector<2048x1xi32> to vector<2048x16xi32>
    %eq3A_155 = arith.cmpi eq, %iota3A, %eq3A_154 : vector<2048x16xi32>
    %jit3A_156 = arith.constant 0.000000e+00 : f32
    %broadcast_in_dim3A_157 = vector.broadcast %jit3A_156 : f32 to vector<2048x16xf32>
    %select_n3A_158 = arith.select %eq3A_155, %add3A_153, %broadcast_in_dim3A_157 : vector<2048x16xi1>, vector<2048x16xf32>
    %reduce_sum3A_159 = arith.constant dense<0.000000e+00> : vector<2048xf32>
    %reduce_sum3A_160 = vector.multi_reduction <add>, %select_n3A_158, %reduce_sum3A_159 [1] : vector<2048x16xf32> to vector<2048xf32>
    %broadcast_in_dim3A_161 = vector.shape_cast %reduce_sum3A_160 : vector<2048xf32> to vector<2048x1xf32>
    %eq3A_162 = vector.broadcast %broadcast_in_dim3A_32 : vector<2048x1xi32> to vector<2048x16xi32>
    %eq3A_163 = arith.cmpi eq, %iota3A, %eq3A_162 : vector<2048x16xi32>
    %jit3A_164 = arith.constant 0.000000e+00 : f32
    %broadcast_in_dim3A_165 = vector.broadcast %jit3A_164 : f32 to vector<2048x16xf32>
    %select_n3A_166 = arith.select %eq3A_163, %add3A_153, %broadcast_in_dim3A_165 : vector<2048x16xi1>, vector<2048x16xf32>
    %reduce_sum3A_167 = arith.constant dense<0.000000e+00> : vector<2048xf32>
    %reduce_sum3A_168 = vector.multi_reduction <add>, %select_n3A_166, %reduce_sum3A_167 [1] : vector<2048x16xf32> to vector<2048xf32>
    %broadcast_in_dim3A_169 = vector.shape_cast %reduce_sum3A_168 : vector<2048xf32> to vector<2048x1xf32>
    %concatenate3A_170 = tpu.concatenate %broadcast_in_dim3A_161, %broadcast_in_dim3A_169 in 1 : vector<2048x1xf32>, vector<2048x1xf32> -> vector<2048x2xf32>
    %convert_element_type3A_171 = arith.fptosi %concatenate3A_170 : vector<2048x2xf32> to vector<2048x2xi32>
    %swap3A_172 = arith.constant 0 : index
    %swap3A_173 = arith.constant 0 : index
    %swap3A_174 = vector.load %arg3[%swap3A_172, %swap3A_173] : memref<2048x2xi32, #tpu.memory_space<vmem>>, vector<2048x2xi32>
    tpu.vector_store %arg3[%swap3A_172, %swap3A_173], %convert_element_type3A_171 {strides = array<i32>} : memref<2048x2xi32, #tpu.memory_space<vmem>>, vector<2048x2xi32>,
    %div3A_175 = arith.constant 2.560000e+02 : f32
    %div3A_176 = vector.broadcast %div3A_175 : f32 to vector<1x16xf32>
    %div3A_177 = arith.divf %dot_general3A_151, %div3A_176 : vector<1x16xf32>
    %iota3A_178 = tpu.iota {dimensions = array<i32: 0>} : vector<32x16xi32>
    %convert_element_type3A_179 = arith.sitofp %iota3A_178 : vector<32x16xi32> to vector<32x16xf32>
    %ge3A = vector.broadcast %div3A_177 : vector<1x16xf32> to vector<32x16xf32>
    %ge3A_180 = arith.cmpf oge, %convert_element_type3A_179, %ge3A : vector<32x16xf32>
    %convert_element_type3A_181 = arith.extui %ge3A_180 : vector<32x16xi1> to vector<32x16xi32>
    %reduce_sum3A_182 = arith.constant dense<0> : vector<32xi32>
    %reduce_sum3A_183 = vector.multi_reduction <add>, %convert_element_type3A_181, %reduce_sum3A_182 [1] : vector<32x16xi32> to vector<32xi32>
    %broadcast_in_dim3A_184 = vector.shape_cast %reduce_sum3A_183 : vector<32xi32> to vector<32x1xi32>
    %sub3A = arith.constant 1 : i32
    %sub3A_185 = vector.broadcast %sub3A : i32 to vector<32x1xi32>
    %sub3A_186 = arith.subi %broadcast_in_dim3A_184, %sub3A_185 : vector<32x1xi32>
    %swap3A_187 = arith.constant 0 : index
    %swap3A_188 = arith.constant 0 : index
    %swap3A_189 = vector.load %arg7[%swap3A_187, %swap3A_188] : memref<32x1xi32, #tpu.memory_space<vmem>>, vector<32x1xi32>
    tpu.vector_store %arg7[%swap3A_187, %swap3A_188], %sub3A_186 {strides = array<i32>} : memref<32x1xi32, #tpu.memory_space<vmem>>, vector<32x1xi32>,
    %reduce_sum3A_190 = vector.shape_cast %mul3A_144 : vector<1x16xf32> to vector<1x1x16xf32>
    %reduce_sum3A_191 = arith.constant dense<0.000000e+00> : vector<1xf32>
    %reduce_sum3A_192 = vector.multi_reduction <add>, %reduce_sum3A_190, %reduce_sum3A_191 [1, 2] : vector<1x1x16xf32> to vector<1xf32>
    %reduce_sum3A_193 = vector.shape_cast %reduce_sum3A_192 : vector<1xf32> to vector<1x1x1xf32>
    %reduce_sum3A_194 = vector.extract %reduce_sum3A_193[0, 0, 0] : f32 from vector<1x1x1xf32>
    %div3A_195 = arith.constant 2.560000e+02 : f32
    %div3A_196 = arith.divf %reduce_sum3A_194, %div3A_195 : f32
    %convert_element_type3A_197 = arith.fptosi %div3A_196 : f32 to i32
    %reshape3A = vector.broadcast %convert_element_type3A_197 : i32 to vector<1x1xi32>
    %swap3A_198 = arith.constant 0 : index
    %swap3A_199 = arith.constant 0 : index
    %swap3A_200 = vector.load %arg8[%swap3A_198, %swap3A_199] : memref<1x1xi32, #tpu.memory_space<vmem>>, vector<1x1xi32>
    tpu.vector_store %arg8[%swap3A_198, %swap3A_199], %reshape3A {strides = array<i32>} : memref<1x1xi32, #tpu.memory_space<vmem>>, vector<1x1xi32>,
    return
  }
}

module attributes {stable_mosaic.version = 14 : i64} {
  func.func @_gmm_kernel(%arg0: i32, %arg1: memref<32xi32, #tpu.memory_space<smem>>, %arg2: memref<1xi32, #tpu.memory_space<smem>>, %arg3: memref<256x1024xbf16, #tpu.memory_space<vmem>>, %arg4: memref<1x1024x1024xf32, #tpu.memory_space<vmem>>, %arg5: memref<1x512x1024xf32, #tpu.memory_space<vmem>>, %arg6: memref<256x1024xbf16, #tpu.memory_space<vmem>>) attributes {dimension_semantics = [#tpu.dimension_semantics<arbitrary>], iteration_bounds = array<i64: 32>, scalar_prefetch = 2 : i64, scratch_operands = 0 : i64, tpu.core_type = #tpu.core_type<tc>, window_params = [{transform_indices = @transform_0, window_bounds = array<i64: 256, 1024>}, {transform_indices = @transform_1, window_bounds = array<i64: 1, 1024, 1024>}, {transform_indices = @transform_2, window_bounds = array<i64: 1, 512, 1024>}, {transform_indices = @transform_3, window_bounds = array<i64: 256, 1024>}]} {
    %get3A = arith.constant 0 : index
    %get3A_0 = memref.load %arg2[%get3A] : memref<1xi32, #tpu.memory_space<smem>>
    %lt3A = arith.cmpi slt, %arg0, %get3A_0 : i32
    %convert_element_type3A = arith.extui %lt3A : i1 to i32
    %cond3A = arith.constant 0 : i32
    %cond3A_1 = arith.cmpi ne, %convert_element_type3A, %cond3A : i32
    scf.if %cond3A_1 {
      %get3A_2 = arith.constant 0 : index
      %get3A_3 = arith.constant 0 : index
      %get3A_4 = vector.load %arg3[%get3A_2, %get3A_3] : memref<256x1024xbf16, #tpu.memory_space<vmem>>, vector<256x1024xbf16>
      %get3A_5 = arith.constant 0 : index
      %get3A_6 = arith.constant 0 : index
      %get3A_7 = arith.constant 0 : index
      %get3A_8 = vector.load %arg4[%get3A_5, %get3A_6, %get3A_7] : memref<1x1024x1024xf32, #tpu.memory_space<vmem>>, vector<1x1024x1024xf32>
      %get3A_9 = vector.shape_cast %get3A_8 : vector<1x1024x1024xf32> to vector<1024x1024xf32>
      %convert_element_type3A_10 = arith.truncf %get3A_9 : vector<1024x1024xf32> to vector<1024x1024xbf16>
      %dot_general3A = arith.constant dense<0.000000e+00> : vector<256x1024xf32>
      %dot_general3A_11 = tpu.matmul %get3A_4, %convert_element_type3A_10, %dot_general3A {dimension_numbers = #tpu.dot_dimension_numbers<[1], [0], [0], [1], [0, 0, 1, 1], [], []>, transpose_lhs_hint = false} : vector<256x1024xbf16>, vector<1024x1024xbf16>, vector<256x1024xf32> -> vector<256x1024xf32>
      %slice3A = vector.extract_strided_slice %dot_general3A_11 {offsets = [0, 0], sizes = [256, 512], strides = [1, 1]} : vector<256x1024xf32> to vector<256x512xf32>
      %slice3A_12 = vector.extract_strided_slice %dot_general3A_11 {offsets = [0, 512], sizes = [256, 512], strides = [1, 1]} : vector<256x1024xf32> to vector<256x512xf32>
      %logistic3A = arith.negf %slice3A : vector<256x512xf32>
      %logistic3A_13 = math.exp %logistic3A : vector<256x512xf32>
      %logistic3A_14 = arith.constant 1.000000e+00 : f32
      %logistic3A_15 = vector.broadcast %logistic3A_14 : f32 to vector<256x512xf32>
      %logistic3A_16 = arith.addf %logistic3A_15, %logistic3A_13 : vector<256x512xf32>
      %logistic3A_17 = arith.divf %logistic3A_15, %logistic3A_16 : vector<256x512xf32>
      %mul3A = arith.mulf %slice3A, %logistic3A_17 : vector<256x512xf32>
      %mul3A_18 = arith.mulf %mul3A, %slice3A_12 : vector<256x512xf32>
      %convert_element_type3A_19 = arith.truncf %mul3A_18 : vector<256x512xf32> to vector<256x512xbf16>
      %get3A_20 = arith.constant 0 : index
      %get3A_21 = arith.constant 0 : index
      %get3A_22 = arith.constant 0 : index
      %get3A_23 = vector.load %arg5[%get3A_20, %get3A_21, %get3A_22] : memref<1x512x1024xf32, #tpu.memory_space<vmem>>, vector<1x512x1024xf32>
      %get3A_24 = vector.shape_cast %get3A_23 : vector<1x512x1024xf32> to vector<512x1024xf32>
      %convert_element_type3A_25 = arith.truncf %get3A_24 : vector<512x1024xf32> to vector<512x1024xbf16>
      %dot_general3A_26 = arith.constant dense<0.000000e+00> : vector<256x1024xf32>
      %dot_general3A_27 = tpu.matmul %convert_element_type3A_19, %convert_element_type3A_25, %dot_general3A_26 {dimension_numbers = #tpu.dot_dimension_numbers<[1], [0], [0], [1], [0, 0, 1, 1], [], []>, transpose_lhs_hint = false} : vector<256x512xbf16>, vector<512x1024xbf16>, vector<256x1024xf32> -> vector<256x1024xf32>
      %convert_element_type3A_28 = arith.truncf %dot_general3A_27 : vector<256x1024xf32> to vector<256x1024xbf16>
      %swap3A = arith.constant 0 : index
      %swap3A_29 = arith.constant 0 : index
      %swap3A_30 = vector.load %arg6[%swap3A, %swap3A_29] : memref<256x1024xbf16, #tpu.memory_space<vmem>>, vector<256x1024xbf16>
      tpu.vector_store %arg6[%swap3A, %swap3A_29], %convert_element_type3A_28 {strides = array<i32>} : memref<256x1024xbf16, #tpu.memory_space<vmem>>, vector<256x1024xbf16>,
    } else {
    }
    return
  }
  func.func @transform_0(%arg0: i32, %arg1: memref<32xi32, #tpu.memory_space<smem>>, %arg2: memref<1xi32, #tpu.memory_space<smem>>) -> (i32, i32) {
    %get3A = arith.constant 0 : index
    %get3A_0 = memref.load %arg2[%get3A] : memref<1xi32, #tpu.memory_space<smem>>
    %sub3A = arith.constant 1 : i32
    %sub3A_1 = arith.subi %get3A_0, %sub3A : i32
    %min3A = arith.minsi %arg0, %sub3A_1 : i32
    %c0_i32 = arith.constant 0 : i32
    %c0_i32_2 = arith.constant 0 : i32
    return %min3A, %c0_i32 : i32, i32
  }
  func.func @transform_1(%arg0: i32, %arg1: memref<32xi32, #tpu.memory_space<smem>>, %arg2: memref<1xi32, #tpu.memory_space<smem>>) -> (i32, i32, i32) {
    %get3A = arith.index_cast %arg0 : i32 to index
    %get3A_0 = memref.load %arg1[%get3A] : memref<32xi32, #tpu.memory_space<smem>>
    %c0_i32 = arith.constant 0 : i32
    %c0_i32_1 = arith.constant 0 : i32
    %c0_i32_2 = arith.constant 0 : i32
    return %get3A_0, %c0_i32, %c0_i32_1 : i32, i32, i32
  }
  func.func @transform_2(%arg0: i32, %arg1: memref<32xi32, #tpu.memory_space<smem>>, %arg2: memref<1xi32, #tpu.memory_space<smem>>) -> (i32, i32, i32) {
    %get3A = arith.index_cast %arg0 : i32 to index
    %get3A_0 = memref.load %arg1[%get3A] : memref<32xi32, #tpu.memory_space<smem>>
    %c0_i32 = arith.constant 0 : i32
    %c0_i32_1 = arith.constant 0 : i32
    %c0_i32_2 = arith.constant 0 : i32
    return %get3A_0, %c0_i32, %c0_i32_1 : i32, i32, i32
  }
  func.func @transform_3(%arg0: i32, %arg1: memref<32xi32, #tpu.memory_space<smem>>, %arg2: memref<1xi32, #tpu.memory_space<smem>>) -> (i32, i32) {
    %get3A = arith.constant 0 : index
    %get3A_0 = memref.load %arg2[%get3A] : memref<1xi32, #tpu.memory_space<smem>>
    %sub3A = arith.constant 1 : i32
    %sub3A_1 = arith.subi %get3A_0, %sub3A : i32
    %min3A = arith.minsi %arg0, %sub3A_1 : i32
    %c0_i32 = arith.constant 0 : i32
    %c0_i32_2 = arith.constant 0 : i32
    return %min3A, %c0_i32 : i32, i32
  }
}

module attributes {stable_mosaic.version = 14 : i64} {
  func.func @_combine_kernel(%arg0: i32, %arg1: memref<512x2x1024xbf16, #tpu.memory_space<vmem>>, %arg2: memref<512x2xf32, #tpu.memory_space<vmem>>, %arg3: memref<512x1024xf32, #tpu.memory_space<vmem>>) attributes {dimension_semantics = [#tpu.dimension_semantics<arbitrary>], iteration_bounds = array<i64: 4>, scalar_prefetch = 0 : i64, scratch_operands = 0 : i64, tpu.core_type = #tpu.core_type<tc>, window_params = [{transform_indices = @transform_0, window_bounds = array<i64: 512, 2, 1024>}, {transform_indices = @transform_1, window_bounds = array<i64: 512, 2>}, {transform_indices = @transform_2, window_bounds = array<i64: 512, 1024>}]} {
    %get3A = arith.constant 0 : index
    %get3A_0 = arith.constant 0 : index
    %get3A_1 = arith.constant 0 : index
    %get3A_2 = vector.load %arg1[%get3A, %get3A_0, %get3A_1] : memref<512x2x1024xbf16, #tpu.memory_space<vmem>>, vector<512x1x1024xbf16>
    %get3A_3 = vector.shape_cast %get3A_2 : vector<512x1x1024xbf16> to vector<512x1024xbf16>
    %convert_element_type3A = arith.extf %get3A_3 : vector<512x1024xbf16> to vector<512x1024xf32>
    %get3A_4 = arith.constant 0 : index
    %get3A_5 = arith.constant 1 : index
    %get3A_6 = arith.constant 0 : index
    %get3A_7 = vector.load %arg1[%get3A_4, %get3A_5, %get3A_6] : memref<512x2x1024xbf16, #tpu.memory_space<vmem>>, vector<512x1x1024xbf16>
    %get3A_8 = vector.shape_cast %get3A_7 : vector<512x1x1024xbf16> to vector<512x1024xbf16>
    %convert_element_type3A_9 = arith.extf %get3A_8 : vector<512x1024xbf16> to vector<512x1024xf32>
    %get3A_10 = arith.constant 0 : index
    %get3A_11 = arith.constant 0 : index
    %get3A_12 = vector.load %arg2[%get3A_10, %get3A_11] : memref<512x2xf32, #tpu.memory_space<vmem>>, vector<512x1xf32>
    %get3A_13 = arith.constant 0 : index
    %get3A_14 = arith.constant 1 : index
    %get3A_15 = vector.load %arg2[%get3A_13, %get3A_14] : memref<512x2xf32, #tpu.memory_space<vmem>>, vector<512x1xf32>
    %mul3A = vector.broadcast %get3A_12 : vector<512x1xf32> to vector<512x1024xf32>
    %mul3A_16 = arith.mulf %mul3A, %convert_element_type3A : vector<512x1024xf32>
    %mul3A_17 = vector.broadcast %get3A_15 : vector<512x1xf32> to vector<512x1024xf32>
    %mul3A_18 = arith.mulf %mul3A_17, %convert_element_type3A_9 : vector<512x1024xf32>
    %add3A = arith.addf %mul3A_16, %mul3A_18 : vector<512x1024xf32>
    %swap3A = arith.constant 0 : index
    %swap3A_19 = arith.constant 0 : index
    %swap3A_20 = vector.load %arg3[%swap3A, %swap3A_19] : memref<512x1024xf32, #tpu.memory_space<vmem>>, vector<512x1024xf32>
    tpu.vector_store %arg3[%swap3A, %swap3A_19], %add3A {strides = array<i32>} : memref<512x1024xf32, #tpu.memory_space<vmem>>, vector<512x1024xf32>,
    return
  }
  func.func @transform_0(%arg0: i32) -> (i32, i32, i32) {
    %c0_i32 = arith.constant 0 : i32
    %c0_i32_0 = arith.constant 0 : i32
    %c0_i32_1 = arith.constant 0 : i32
    return %arg0, %c0_i32, %c0_i32_0 : i32, i32, i32
  }
  func.func @transform_1(%arg0: i32) -> (i32, i32) {
    %c0_i32 = arith.constant 0 : i32
    %c0_i32_0 = arith.constant 0 : i32
    return %arg0, %c0_i32 : i32, i32
  }
  func.func @transform_2(%arg0: i32) -> (i32, i32) {
    %c0_i32 = arith.constant 0 : i32
    %c0_i32_0 = arith.constant 0 : i32
    return %arg0, %c0_i32 : i32, i32
  }
}

</mosaic_0001>

<sc_bundles>
// kernel: kernel.10.cloned.1.call-start
scs
__scs_entry_jumppad:
0x0: {  	(pc) =	sbr.rel $0x88, $3  }
0x1: {  	(tag) =	ssettag $0x0;
	lr =	simm.s32 $0x1  }
0x2: {  	[smem:$0x3F9C] =	sst lr;
	_ =	strace $0xD0000000  }
0x3: {  	_ = 	snop  }
0x4: {  	_ = 	snop  }
0x5: {  	_ = 	snop  }
0x6: {  	_ = 	snop  }
0x7: {  	_ = 	snop  }
__scs_overlays_trampoline_lowered:
0x8: {  	[smem:$0x3FAB] =	sst s0  }
0x9: {  	[smem:$0x3FAC] =	sst s1  }
0xa: {  	[smem:$0x3FAD] =	sst s2  }
0xb: {  	[smem:$0x3FAE] =	sst s3  }
0xc: {  	[smem:$0x3FAF] =	sst s4  }
0xd: {  	[smem:$0x3FB0] =	sst s5  }
0xe: {  	[smem:$0x3FB1] =	sst s6  }
0xf: {  	[smem:$0x3FB2] =	sst s7  }
0x10: {  	[smem:$0x3FB3] =	sst s8  }
0x11: {  	[smem:$0x3FB4] =	sst s9;
	s0 =	simm.s32 @!p0 $0x0  }
0x12: {  	s1 =	sld [smem:$0x3F9A];
	s0 =	simm.s32 @p0 $0x1  }
0x13: {  	[smem:$0x3FB5] =	sst s0;
	s0 =	simm.s32 @!p1 $0x0  }
0x14: {  	s2 =	sld [smem:$0x3F99];
	s0 =	simm.s32 @p1 $0x1  }
0x15: {  	[smem:$0x3FB6] =	sst s0;
	s0 =	simm.s32 @!p2 $0x0  }
0x16: {  	s3 =	sld [smem:$0x3FDB];
	s0 =	simm.s32 @p2 $0x1  }
0x17: {  	s4 =	simm.s32 $0x1BF5;
	[smem:$0x3FB8] =	sst s0  }
0x18: {  	s0 =	sld [smem:$0x3F9B];
	_ =	swait.ge [sflag:s4], $0x0  }
0x19: {  	s7 =	sld [smem:$0x3F9C]  }
0x1a: {  	s8 =	sadd.s32 $0xFFFFE003, lr  }
0x1b: {  	s9 =	sadd.s32 $0xFFFFFEF7, lr;
	s5 =	simm.s32 $0xFFFFFFFF;
	p2 =	slt.u32 s8, $0xFFFFF086  }
0x1c: {  	p1 =	slt.u32 s9, $0xF7A;
	s5 =	simm.s32 @!p2 $0x0  }
0x1d: {  	s5 =	simm.s32 @p1 $0x1;
	p0 =	seq.s32 s7, s2  }
0x1e: {  	s7 =	smul.u32 @!p0 $0xF7A, s2;
	p2 =	seq.s32 @!p0 s5, $0x0  }
0x1f: {  	s9 =	smul.u32 $0xF7A, s1;
	s8 =	simm.s32 @!p0 $0x1BF5;
	p2 =	por !p2, p0  }
0x20: {  	[sflag:s8] =	ssyncset.s32 @!p0 $0xFFFFF086;
	s6 =	sadd.s32 @!p0 s3, s7;
	s7 =	simm.s32 @!p0 $0x108  }
0x21: {  	s3 =	sadd.s32 s3, s9;
	s6 =	sadd.s32 @!p0 $0x88, s6;
	s7 =	simm.s32 @p2 $0x1082  }
0x22: {  	[simem:s7], [sflag:s8] =	dma.local @!p0 [hbm:s6], $0xF7A  }
0x23: {  	s9 =	sor.u32 $0xD0000000, s2;
	s6 =	simm.s32 $0x108;
	_ =	swait.ge @!p0 [sflag:s8], $0x0  }
0x24: {  	s3 =	sadd.s32 $0x88, s3;
	s6 =	simm.s32 @!p1 $0x1082;
	[sflag:s4] =	ssyncset.s32 $0xFFFFF086  }
0x25: {  	[simem:s6], [sflag:s4] =	dma.local [hbm:s3], $0xF7A  }
0x26: {  	[smem:$0x3F9C] =	sst s1;
	(tag) =	ssettag s2;
	_ =	strace s9  }
0x27: {  	s1 =	sld [smem:$0x3FAC]  }
0x28: {  	s2 =	sld [smem:$0x3FAD]  }
0x29: {  	s4 =	sld [smem:$0x3FAF]  }
0x2a: {  	p0 =	seq.s32 s5, $0x0;
	s5 =	sld [smem:$0x3FB0]  }
0x2b: {  	s6 =	sld [smem:$0x3FB1]  }
0x2c: {  	s7 =	sld [smem:$0x3FB2]  }
0x2d: {  	s3 =	simm.s32 $0x108;
	s8 =	sld [smem:$0x3FB3]  }
0x2e: {  	s3 =	simm.s32 @!p0 $0x1082;
	s9 =	sld [smem:$0x3FB4]  }
0x2f: {  	lr =	sadd.s32 s0, s3;
	s0 =	sld [smem:$0x3FAB]  }
0x30: {  	s3 =	sld [smem:$0x3FAE]  }
0x31: {  	[smem:$0x3FB7] =	sst s10  }
0x32: {  	s10 =	sld [smem:$0x3FB5];
	_ =	sdelay $0x3  }
0x33: {  	p0 =	seq.s32 s10, $0x1;
	s10 =	sld [smem:$0x3FB7];
	_ =	sdelay $0x3  }
0x34: {  	[smem:$0x3FB7] =	sst s10  }
0x35: {  	s10 =	sld [smem:$0x3FB6];
	_ =	sdelay $0x3  }
0x36: {  	p1 =	seq.s32 s10, $0x1;
	s10 =	sld [smem:$0x3FB7];
	_ =	sdelay $0x3  }
0x37: {  	[smem:$0x3FB7] =	sst s10  }
0x38: {  	s10 =	sld [smem:$0x3FB8]  }
0x39: {  	_ = 	snop;
	(pc) =	sbr.ind lr, $3  }
0x3a: {  	_ = 	snop  }
0x3b: {  	_ = 	snop  }
0x3c: {  	p2 =	seq.s32 s10, $0x1;
	s10 =	sld [smem:$0x3FB7]  }
0x3d: {  	_ =	shalt  }
0x3e: {  	_ =	shalt  }
0x3f: {  	_ =	shalt  }
0x40: {  	_ =	shalt  }
0x41: {  	_ =	shalt  }
0x42: {  	_ =	shalt  }
0x43: {  	_ =	shalt  }
0x44: {  	_ =	shalt  }
0x45: {  	_ =	shalt  }
0x46: {  	_ =	shalt  }
0x47: {  	_ =	shalt  }
0x48: {  	_ =	shalt  }
0x49: {  	_ =	shalt  }
0x4a: {  	_ =	shalt  }
0x4b: {  	_ =	shalt  }
0x4c: {  	_ =	shalt  }
0x4d: {  	_ =	shalt  }
0x4e: {  	_ =	shalt  }
0x4f: {  	_ =	shalt  }
0x50: {  	_ =	shalt  }
0x51: {  	_ =	shalt  }
0x52: {  	_ =	shalt  }
0x53: {  	_ =	shalt  }
0x54: {  	_ =	shalt  }
0x55: {  	_ =	shalt  }
0x56: {  	_ =	shalt  }
0x57: {  	_ =	shalt  }
0x58: {  	_ =	shalt  }
0x59: {  	_ =	shalt  }
0x5a: {  	_ =	shalt  }
0x5b: {  	_ =	shalt  }
0x5c: {  	_ =	shalt  }
0x5d: {  	_ =	shalt  }
0x5e: {  	_ =	shalt  }
0x5f: {  	_ =	shalt  }
0x60: {  	_ =	shalt  }
0x61: {  	_ =	shalt  }
0x62: {  	_ =	shalt  }
0x63: {  	_ =	shalt  }
0x64: {  	_ =	shalt  }
0x65: {  	_ =	shalt  }
0x66: {  	_ =	shalt  }
0x67: {  	_ =	shalt  }
0x68: {  	_ =	shalt  }
0x69: {  	_ =	shalt  }
0x6a: {  	_ =	shalt  }
0x6b: {  	_ =	shalt  }
0x6c: {  	_ =	shalt  }
0x6d: {  	_ =	shalt  }
0x6e: {  	_ =	shalt  }
0x6f: {  	_ =	shalt  }
0x70: {  	_ =	shalt  }
0x71: {  	_ =	shalt  }
0x72: {  	_ =	shalt  }
0x73: {  	_ =	shalt  }
0x74: {  	_ =	shalt  }
0x75: {  	_ =	shalt  }
0x76: {  	_ =	shalt  }
0x77: {  	_ =	shalt  }
0x78: {  	_ =	shalt  }
0x79: {  	_ =	shalt  }
0x7a: {  	_ =	shalt  }
0x7b: {  	_ =	shalt  }
0x7c: {  	_ =	shalt  }
0x7d: {  	_ =	shalt  }
0x7e: {  	_ =	shalt  }
0x7f: {  	_ =	shalt  }
0x80: {  	_ =	shalt  }
0x81: {  	_ =	shalt  }
0x82: {  	_ =	shalt  }
0x83: {  	_ =	shalt  }
0x84: {  	_ =	shalt  }
0x85: {  	_ =	shalt  }
0x86: {  	_ =	shalt  }
0x87: {  	_ =	shalt  }
.Lfunc_end0:
.L_simem_size_0:
called_computation.3_lowered:
.L_overlay_start_0:
0x88: {  	s2 =	sld [smem:$0x3FD9]  }
0x89: {  	s3 =	sld [smem:$0x3FFE];
	_ =	sdelay $0x1  }
0x8a: {  	s1 =	srdreg.scid  }
0x8b: {  	s0 =	sand.u32 $0x1, s1  }
0x8c: {  	s14 =	sshll.u32 s0, $0xA;
	s2 =	sadd.s32 s3, s2  }
0x8d: {  	s2 =	sadd.s32 s2, s14  }
0x8e: {  	[smem:$0x3FC3] =	sst s2  }
0x8f: {  	_ = 	snop  }
0x90: {  	s2 =	sld [smem:$0x3FD0];
	_ =	sdelay $0x2  }
0x91: {  	s15 =	simm.s32 $0xA;
	s4 =	simm.s32 $0x10  }
0x92: {  	[smem:s4], [sflag:s15] =	dma.local [hbm:s2], $0x1  }
0x93: {  	_ =	swait.eq [sflag:s15], $0x1  }
0x94: {  	[sflag:s15] =	ssyncset.done $0x0  }
0x95: {  	[sflag:s15] =	ssyncadd.s32 $0xFFFFFFFF  }
0x96: {  	s16 =	sld [smem:$0x10];
	(tm) =	ssettm $0x1  }
0x97: {  	s17 =	sld [smem:$0x3FFB];
	_ =	sdelay $0x3  }
0x98: {  	_ =	strace s17  }
0x99: {  	s3 =	sld [smem:$0x3FFC];
	_ =	sdelay $0x3  }
0x9a: {  	_ =	strace s3  }
0x9b: {  	s3 =	sld [smem:$0x3FFD];
	_ =	sdelay $0x3  }
0x9c: {  	_ =	strace s3  }
0x9d: {  	_ =	strace $0x8FFFFFFF  }
0x9e: {  	s18 =	sld [smem:$0x3FDB];
	_ =	sdelay $0x1  }
0x9f: {  	s19 =	simm.s32 $_scs_section_size  }
0xa0: {  	s5 =	simm.s32 $_size__tile_overlayer_lowered;
	s6 =	simm.s32 $_tile_overlayer_lowered  }
0xa1: {  	s22 =	simm.s32 $0x1BFF;
	s21 =	sshll.u32 s6, $0x1;
	s3 =	sadd.s32 s19, s18  }
0xa2: {  	s7 =	simm.s32 $0x0;
	s20 =	sshll.u32 s5, $0x1;
	s5 =	sadd.s32 s21, s3  }
0xa3: {  	[timem:s7], [sflag:s22] =	dma.local [hbm:s5], s20  }
0xa4: {  	_ =	swait.ge [sflag:s22], s20  }
0xa5: {  	s4 =	ssub.s32 $0x0, s20;
	[sflag:s22] =	ssyncset.done $0x0  }
0xa6: {  	[sflag:s22] =	ssyncadd.s32 s4;
	_ =	sdelay $0x1  }
0xa7: {  	s23 =	simm.s32 $0x1B8B  }
0xa8: {  	_ =	swait.ge [sflag:s23], $0x1  }
0xa9: {  	[sflag:s23] =	ssyncset.done $0x0  }
0xaa: {  	s25 =	simm.s32 $0x1B8E;
	s24 =	sld [smem:$0x3FFE];
	[sflag:s23] =	ssyncadd.s32 $0xFFFFFFFF  }
0xab: {  	s26 =	simm.s32 $execute0_lowered;
	[smem:$0x3FD2] =	sst s25  }
0xac: {  	s5 =	sshll.u32 s26, $0x1;
	_ =	strace $0x8000004F;
	[dreg:$0x1] =	wrdreg $0xFFFFFFFF  }
0xad: {  	s28 =	simm.s32 $_size_execute0_lowered;
	s3 =	sadd.s32 s3, s5;
	[dreg:$0x0] =	wrdreg $0x0  }
0xae: {  	s5 =	sshll.u32 s28, $0x1;
	[dreg:$0x2] =	wrdreg s3  }
0xaf: {  	[dreg:$0x3] =	wrdreg s5  }
0xb0: {  	[dreg:$0x4] =	wrdreg $0xC0  }
0xb1: {  	_ =	task [dreg:s7], $0x5FFFF  }
0xb2: {  	[dreg:$0x1] =	wrdreg $0xFFFFFFFF  }
0xb3: {  	[dreg:$0x0] =	wrdreg $0x60  }
0xb4: {  	[dreg:$0x2] =	wrdreg s24  }
0xb5: {  	[dreg:$0x3] =	wrdreg s16  }
0xb6: {  	[dreg:$0x4] =	wrdreg $0x9  }
0xb7: {  	_ =	task.clear_ibuf [dreg:s7], $0x5FFFF;
	_ =	strace $0x9000004F  }
0xb8: {  	s29 =	simm.s32 $0x9;
	_ =	strace $0x80000051  }
0xb9: {  	_ =	swait.ge [sflag:s29], $0x1  }
0xba: {  	[sflag:s29] =	ssyncadd.s32 $0xFFFFFFFF  }
0xbb: {  	_ =	strace $0x90000051  }
0xbc: {  	_ =	sfence  }
0xbd: {  	s30 =	sld [smem:$0x0];
	_ =	sdelay $0x2  }
0xbe: {  	s31 =	sshll.u32 s1, $0xD;
	s1 =	sshrl.u32 s1, $0x2  }
0xbf: {  	s3 =	sand.u32 $0x4000, s31;
	s1 =	sadd.s32 s1, s30  }
0xc0: {  	s0 =	sor.u32 s3, s0;
	s1 =	sshll.u32 s1, $0x11  }
0xc1: {  	s0 =	sor.u32 s1, s0  }
0xc2: {  	s0 =	sadd.s32 $0x8F2B, s0  }
0xc3: {  	[sflag:s0] =	ssyncadd.remote.s32 $0x1  }
0xc4: {  	_ =	sfence.sel $0xFFFF  }
0xc5: {  	[dreg:$0x0] =	wrdreg $0xFFFFFFFF;
	(pc) =	sbr.abs _section_cstart, $3  }
0xc6: {  	[dreg:$0x1] =	wrdreg $0xFFFFFFFF  }
0xc7: {  	_ =	task.clear_ibuf [dreg:s7], $0x2FFFF;
	_ =	strace $0x9FFFFFFF  }
0xc8: {  	(tm) =	ssettm $0x7FFFFFFF  }
0xc9: {  	_ =	shalt  }
tec
execute0_lowered:
.L_overlay_start_1:
0x0: {  	(tag) =	ssettag $0x1  }
0x1: {  	s5 =	rddreg [dreg:$0x0]  }
0x2: {  	s8 =	rddreg [dreg:$0x1]  }
0x3: {  	s0 =	rddreg [dreg:$0x2];
	s3 =	srdreg.scid  }
0x4: {  	s2 =	simm.s32 $0x0;
	s1 =	stileid.u32;
	s12 =	simm.s32 $0x880  }
0x5: {  	s13 =	simm.s32 $0x1080;
	s14 =	simm.s32 $0x1880;
	s15 =	simm.s32 $0x2080  }
0x6: {  	s16 =	simm.s32 $0x2880;
	s17 =	simm.s32 $0x3080;
	s18 =	simm.s32 $0x3880  }
0x7: {  	s19 =	simm.s32 $0x4080;
	s20 =	simm.s32 $0x4880;
	s21 =	simm.s32 $0x5080  }
0x8: {  	s22 =	simm.s32 $0x5880;
	s23 =	simm.s32 $0x6080;
	s24 =	simm.s32 $0x6880  }
0x9: {  	s25 =	simm.s32 $0x7080;
	s28 =	simm.s32 $0x1;
	s3 =	sand.u32 $0x1, s3  }
0xa: {  	[smem:$0x7FF] =	sst s2;
	s4 =	sshll.u32 s1, $0x8;
	s9 =	sadd.s32 $0x9800, s5  }
0xb: {  	s6 =	sshll.u32 s3, $0x7;
	_ =	strace $0x80000050;
	s7 =	ssub.s32 $0x2, s3  }
0xc: {  	s3 =	sadd.s32 $0x89A00, s5;
	s6 =	sor.u32 s6, s4;
	s26 =	sshrl.u32 s7, $0x1  }
0xd: {  	s5 =	sadd.s32 $0x89B00, s5;
	s10 =	sshrl.u32 s6, $0x3;
	s11 =	ssub.s32 s7, s26  }
0xe: {  	s29 =	sshll.u32 s6, $0x6;
	s30 =	sor.u32 $0x40, s6;
	s26 =	simm.s32 $0x7880  }
0xf: {  	v2 =	vlaneseq.u32;
	s4 =	sadd.s32 s9, s10;
	s31 =	sshrl.u32 s30, $0x3;
	s10 =	sshll.u32 s30, $0x6  }
0x10: {  	vm0 =	vmmov $0xffff;
	v1 =	vshrl.u32 v2, $0x3;
	s6 =	sadd.s32 s8, s29;
	s7 =	sadd.s32 s9, s31;
	s8 =	sadd.s32 s8, s10  }
0x11: {  	v0 =	vand.u32 $0x7, v2;
	v2 =	vor.u32 $0x8, v2;
	v1 =	vmul.u32 $0x8, v1;
	s9 =	smax.u32 s11, $0x1;
	s10 =	simm.s32 $0x2;
	s11 =	simm.s32 $0x80  }
.LBB2_1:
0x12: {  	[tilespmem:s2], [sflag:$0x2] =	stream.linear.gather [hbm4b:s4+s2], $0x40, $0x38;
	[tilespmem:$0x8080] =	vst v63  }
0x13: {  	_ =	swait.ge [sflag:s10], $0x40  }
0x14: {  	[sflag:s10] =	ssyncset.done $0x0  }
0x15: {  	[sflag:s10] =	ssyncadd.s32 $0xFFFFFFC0  }
0x16: {  	v3 =	vld [tilespmem:$0x0];
	_ =	sdelay $0x4  }
0x17: {  	v4 =	vshll.u32 v3, $0x2  }
0x18: {  	v3 =	vand.u32 $0x7, v3;
	v4 =	vand.u32 $0xFFFFFFE0, v4  }
0x19: {  	v3 =	vor.u32 v3, v4  }
0x1a: {  	v4 =	vperm.xlane v3, v0;
	_ =	sdelay $0x1  }
0x1b: {  	v4 =	vadd.s32 v1, v4;
	_ =	sdelay $0x1  }
0x1c: {  	v3 =	vperm.xlane v3, v2;
	_ =	sdelay $0x1  }
0x1d: {  	v3 =	vadd.s32 v1, v3  }
0x1e: {  	[tilespmem:s11], [sflag:$0x1] =	stream.indirect_vreg.gather [hbm4b:s3+s2], $0x80, v4, vm0, $0xb8;
	[tilespmem:$0x8080] =	vst v63  }
0x1f: {  	_ = 	snop  }
0x20: {  	[tilespmem:s12], [sflag:$0x1] =	stream.indirect_vreg.gather [hbm4b:s5+s2], $0x80, v4, vm0, $0xb8;
	[tilespmem:$0x8080] =	vst v63  }
0x21: {  	_ = 	snop  }
0x22: {  	[tilespmem:s13], [sflag:$0x1] =	stream.indirect_vreg.gather [hbm4b:s3+s2], $0x80, v3, vm0, $0xb8;
	[tilespmem:$0x8080] =	vst v63  }
0x23: {  	_ = 	snop  }
0x24: {  	[tilespmem:s14], [sflag:$0x1] =	stream.indirect_vreg.gather [hbm4b:s5+s2], $0x80, v3, vm0, $0xb8;
	[tilespmem:$0x8080] =	vst v63  }
0x25: {  	v3 =	vld [tilespmem:$0x10];
	_ =	sdelay $0x4  }
0x26: {  	v57 =	vshll.u32 v3, $0x2  }
0x27: {  	v3 =	vand.u32 $0x7, v3;
	v4 =	vand.u32 $0xFFFFFFE0, v57  }
0x28: {  	v3 =	vor.u32 v3, v4  }
0x29: {  	v4 =	vperm.xlane v3, v0;
	_ =	sdelay $0x1  }
0x2a: {  	v4 =	vadd.s32 v1, v4;
	_ =	sdelay $0x1  }
0x2b: {  	v3 =	vperm.xlane v3, v2;
	_ =	sdelay $0x1  }
0x2c: {  	v3 =	vadd.s32 v1, v3  }
0x2d: {  	[tilespmem:s15], [sflag:$0x1] =	stream.indirect_vreg.gather [hbm4b:s3+s2], $0x80, v4, vm0, $0xb8;
	[tilespmem:$0x8080] =	vst v63  }
0x2e: {  	_ = 	snop  }
0x2f: {  	[tilespmem:s16], [sflag:$0x1] =	stream.indirect_vreg.gather [hbm4b:s5+s2], $0x80, v4, vm0, $0xb8;
	[tilespmem:$0x8080] =	vst v63  }
0x30: {  	_ = 	snop  }
0x31: {  	[tilespmem:s17], [sflag:$0x1] =	stream.indirect_vreg.gather [hbm4b:s3+s2], $0x80, v3, vm0, $0xb8;
	[tilespmem:$0x8080] =	vst v63  }
0x32: {  	_ = 	snop  }
0x33: {  	[tilespmem:s18], [sflag:$0x1] =	stream.indirect_vreg.gather [hbm4b:s5+s2], $0x80, v3, vm0, $0xb8;
	[tilespmem:$0x8080] =	vst v63  }
0x34: {  	v3 =	vld [tilespmem:$0x20];
	_ =	sdelay $0x4  }
0x35: {  	v58 =	vshll.u32 v3, $0x2  }
0x36: {  	v3 =	vand.u32 $0x7, v3;
	v4 =	vand.u32 $0xFFFFFFE0, v58  }
0x37: {  	v3 =	vor.u32 v3, v4  }
0x38: {  	v4 =	vperm.xlane v3, v0;
	_ =	sdelay $0x1  }
0x39: {  	v4 =	vadd.s32 v1, v4;
	_ =	sdelay $0x1  }
0x3a: {  	v3 =	vperm.xlane v3, v2;
	_ =	sdelay $0x1  }
0x3b: {  	v3 =	vadd.s32 v1, v3  }
0x3c: {  	[tilespmem:s19], [sflag:$0x1] =	stream.indirect_vreg.gather [hbm4b:s3+s2], $0x80, v4, vm0, $0xb8;
	[tilespmem:$0x8080] =	vst v63  }
0x3d: {  	_ = 	snop  }
0x3e: {  	[tilespmem:s20], [sflag:$0x1] =	stream.indirect_vreg.gather [hbm4b:s5+s2], $0x80, v4, vm0, $0xb8;
	[tilespmem:$0x8080] =	vst v63  }
0x3f: {  	_ = 	snop  }
0x40: {  	[tilespmem:s21], [sflag:$0x1] =	stream.indirect_vreg.gather [hbm4b:s3+s2], $0x80, v3, vm0, $0xb8;
	[tilespmem:$0x8080] =	vst v63  }
0x41: {  	_ = 	snop  }
0x42: {  	[tilespmem:s22], [sflag:$0x1] =	stream.indirect_vreg.gather [hbm4b:s5+s2], $0x80, v3, vm0, $0xb8;
	[tilespmem:$0x8080] =	vst v63  }
0x43: {  	v3 =	vld [tilespmem:$0x30];
	_ =	sdelay $0x4  }
0x44: {  	v59 =	vshll.u32 v3, $0x2  }
0x45: {  	v3 =	vand.u32 $0x7, v3;
	v4 =	vand.u32 $0xFFFFFFE0, v59  }
0x46: {  	v3 =	vor.u32 v3, v4  }
0x47: {  	v4 =	vperm.xlane v3, v0;
	_ =	sdelay $0x1  }
0x48: {  	v4 =	vadd.s32 v1, v4;
	_ =	sdelay $0x1  }
0x49: {  	v3 =	vperm.xlane v3, v2;
	_ =	sdelay $0x1  }
0x4a: {  	v3 =	vadd.s32 v1, v3  }
0x4b: {  	[tilespmem:s23], [sflag:$0x1] =	stream.indirect_vreg.gather [hbm4b:s3+s2], $0x80, v4, vm0, $0xb8;
	[tilespmem:$0x8080] =	vst v63  }
0x4c: {  	_ = 	snop  }
0x4d: {  	[tilespmem:s24], [sflag:$0x1] =	stream.indirect_vreg.gather [hbm4b:s5+s2], $0x80, v4, vm0, $0xb8;
	[tilespmem:$0x8080] =	vst v63  }
0x4e: {  	_ = 	snop  }
0x4f: {  	[tilespmem:s25], [sflag:$0x1] =	stream.indirect_vreg.gather [hbm4b:s3+s2], $0x80, v3, vm0, $0xb8;
	[tilespmem:$0x8080] =	vst v63  }
0x50: {  	_ = 	snop  }
0x51: {  	[tilespmem:s26], [sflag:$0x1] =	stream.indirect_vreg.gather [hbm4b:s5+s2], $0x80, v3, vm0, $0xb8;
	[tilespmem:$0x8080] =	vst v63  }
0x52: {  	_ =	swait.ge [sflag:s28], $0x8000  }
0x53: {  	[sflag:s28] =	ssyncset.done $0x0  }
0x54: {  	[sflag:s28] =	ssyncadd.s32 $0xFFFF8000  }
0x55: {  	[hbm4b:s6+s2] =	stream.linear.scatter [tilespmem:s11], [sflag:$0x2], $0x8000, $0x38;
	[tilespmem:$0x8080] =	vst v63  }
0x56: {  	_ =	swait.ge [sflag:s10], $0x8000  }
0x57: {  	[sflag:s10] =	ssyncset.done $0x0  }
0x58: {  	[sflag:s10] =	ssyncadd.s32 $0xFFFF8000  }
0x59: {  	[tilespmem:s2], [sflag:$0x2] =	stream.linear.gather [hbm4b:s7+s2], $0x40, $0x38;
	[tilespmem:$0x8080] =	vst v63  }
0x5a: {  	_ =	swait.ge [sflag:s10], $0x40  }
0x5b: {  	[sflag:s10] =	ssyncset.done $0x0  }
0x5c: {  	[sflag:s10] =	ssyncadd.s32 $0xFFFFFFC0  }
0x5d: {  	v3 =	vld [tilespmem:$0x0];
	_ =	sdelay $0x4  }
0x5e: {  	v60 =	vshll.u32 v3, $0x2  }
0x5f: {  	v3 =	vand.u32 $0x7, v3;
	v4 =	vand.u32 $0xFFFFFFE0, v60  }
0x60: {  	v3 =	vor.u32 v3, v4  }
0x61: {  	v4 =	vperm.xlane v3, v0;
	_ =	sdelay $0x1  }
0x62: {  	v4 =	vadd.s32 v1, v4;
	_ =	sdelay $0x1  }
0x63: {  	v3 =	vperm.xlane v3, v2;
	_ =	sdelay $0x1  }
0x64: {  	v3 =	vadd.s32 v1, v3  }
0x65: {  	[tilespmem:s11], [sflag:$0x1] =	stream.indirect_vreg.gather [hbm4b:s3+s2], $0x80, v4, vm0, $0xb8;
	[tilespmem:$0x8080] =	vst v63  }
0x66: {  	_ = 	snop  }
0x67: {  	[tilespmem:s12], [sflag:$0x1] =	stream.indirect_vreg.gather [hbm4b:s5+s2], $0x80, v4, vm0, $0xb8;
	[tilespmem:$0x8080] =	vst v63  }
0x68: {  	_ = 	snop  }
0x69: {  	[tilespmem:s13], [sflag:$0x1] =	stream.indirect_vreg.gather [hbm4b:s3+s2], $0x80, v3, vm0, $0xb8;
	[tilespmem:$0x8080] =	vst v63  }
0x6a: {  	_ = 	snop  }
0x6b: {  	[tilespmem:s14], [sflag:$0x1] =	stream.indirect_vreg.gather [hbm4b:s5+s2], $0x80, v3, vm0, $0xb8;
	[tilespmem:$0x8080] =	vst v63  }
0x6c: {  	v3 =	vld [tilespmem:$0x10];
	_ =	sdelay $0x4  }
0x6d: {  	v61 =	vshll.u32 v3, $0x2  }
0x6e: {  	v3 =	vand.u32 $0x7, v3;
	v4 =	vand.u32 $0xFFFFFFE0, v61  }
0x6f: {  	v3 =	vor.u32 v3, v4  }
0x70: {  	v4 =	vperm.xlane v3, v0;
	_ =	sdelay $0x1  }
0x71: {  	v4 =	vadd.s32 v1, v4;
	_ =	sdelay $0x1  }
0x72: {  	v3 =	vperm.xlane v3, v2;
	_ =	sdelay $0x1  }
0x73: {  	v3 =	vadd.s32 v1, v3  }
0x74: {  	[tilespmem:s15], [sflag:$0x1] =	stream.indirect_vreg.gather [hbm4b:s3+s2], $0x80, v4, vm0, $0xb8;
	[tilespmem:$0x8080] =	vst v63  }
0x75: {  	_ = 	snop  }
0x76: {  	[tilespmem:s16], [sflag:$0x1] =	stream.indirect_vreg.gather [hbm4b:s5+s2], $0x80, v4, vm0, $0xb8;
	[tilespmem:$0x8080] =	vst v63  }
0x77: {  	_ = 	snop  }
0x78: {  	[tilespmem:s17], [sflag:$0x1] =	stream.indirect_vreg.gather [hbm4b:s3+s2], $0x80, v3, vm0, $0xb8;
	[tilespmem:$0x8080] =	vst v63  }
0x79: {  	_ = 	snop  }
0x7a: {  	[tilespmem:s18], [sflag:$0x1] =	stream.indirect_vreg.gather [hbm4b:s5+s2], $0x80, v3, vm0, $0xb8;
	[tilespmem:$0x8080] =	vst v63  }
0x7b: {  	v3 =	vld [tilespmem:$0x20];
	_ =	sdelay $0x4  }
0x7c: {  	v62 =	vshll.u32 v3, $0x2  }
0x7d: {  	v3 =	vand.u32 $0x7, v3;
	v4 =	vand.u32 $0xFFFFFFE0, v62  }
0x7e: {  	v3 =	vor.u32 v3, v4  }
0x7f: {  	v4 =	vperm.xlane v3, v0;
	_ =	sdelay $0x1  }
0x80: {  	v4 =	vadd.s32 v1, v4;
	_ =	sdelay $0x1  }
0x81: {  	v3 =	vperm.xlane v3, v2;
	_ =	sdelay $0x1  }
0x82: {  	v3 =	vadd.s32 v1, v3  }
0x83: {  	[tilespmem:s19], [sflag:$0x1] =	stream.indirect_vreg.gather [hbm4b:s3+s2], $0x80, v4, vm0, $0xb8;
	[tilespmem:$0x8080] =	vst v63  }
0x84: {  	_ = 	snop  }
0x85: {  	[tilespmem:s20], [sflag:$0x1] =	stream.indirect_vreg.gather [hbm4b:s5+s2], $0x80, v4, vm0, $0xb8;
	[tilespmem:$0x8080] =	vst v63  }
0x86: {  	_ = 	snop  }
0x87: {  	[tilespmem:s21], [sflag:$0x1] =	stream.indirect_vreg.gather [hbm4b:s3+s2], $0x80, v3, vm0, $0xb8;
	[tilespmem:$0x8080] =	vst v63  }
0x88: {  	_ = 	snop  }
0x89: {  	[tilespmem:s22], [sflag:$0x1] =	stream.indirect_vreg.gather [hbm4b:s5+s2], $0x80, v3, vm0, $0xb8;
	[tilespmem:$0x8080] =	vst v63  }
0x8a: {  	v3 =	vld [tilespmem:$0x30];
	_ =	sdelay $0x4  }
0x8b: {  	v63 =	vshll.u32 v3, $0x2  }
0x8c: {  	v3 =	vand.u32 $0x7, v3;
	v4 =	vand.u32 $0xFFFFFFE0, v63  }
0x8d: {  	v3 =	vor.u32 v3, v4  }
0x8e: {  	v4 =	vperm.xlane v3, v0;
	_ =	sdelay $0x1  }
0x8f: {  	v4 =	vadd.s32 v1, v4;
	_ =	sdelay $0x1  }
0x90: {  	v3 =	vperm.xlane v3, v2;
	_ =	sdelay $0x1  }
0x91: {  	v3 =	vadd.s32 v1, v3  }
0x92: {  	[tilespmem:s23], [sflag:$0x1] =	stream.indirect_vreg.gather [hbm4b:s3+s2], $0x80, v4, vm0, $0xb8;
	[tilespmem:$0x8080] =	vst v63  }
0x93: {  	_ = 	snop  }
0x94: {  	[tilespmem:s24], [sflag:$0x1] =	stream.indirect_vreg.gather [hbm4b:s5+s2], $0x80, v4, vm0, $0xb8;
	[tilespmem:$0x8080] =	vst v63  }
0x95: {  	_ = 	snop  }
0x96: {  	[tilespmem:s25], [sflag:$0x1] =	stream.indirect_vreg.gather [hbm4b:s3+s2], $0x80, v3, vm0, $0xb8;
	[tilespmem:$0x8080] =	vst v63  }
0x97: {  	_ = 	snop  }
0x98: {  	[tilespmem:s26], [sflag:$0x1] =	stream.indirect_vreg.gather [hbm4b:s5+s2], $0x80, v3, vm0, $0xb8;
	[tilespmem:$0x8080] =	vst v63  }
0x99: {  	_ =	swait.ge [sflag:s28], $0x8000  }
0x9a: {  	p0 =	sne.s32 s9, $0x1;
	[sflag:s28] =	ssyncset.done $0x0  }
.Ltmp0:
0x9b: {  	[sflag:s28] =	ssyncadd.s32 $0xFFFF8000;
	(pc) =	sbr.rel @p0 .LBB2_1-.Ltmp0, $4  }
0x9c: {  	[hbm4b:s8+s2] =	stream.linear.scatter [tilespmem:s11], [sflag:$0x2], $0x8000, $0x38;
	[tilespmem:$0x8080] =	vst v63  }
0x9d: {  	_ =	swait.ge [sflag:s10], $0x8000  }
0x9e: {  	[sflag:s10] =	ssyncset.done $0x0  }
0x9f: {  	s9 =	sadd.s32 $0xFFFFFFFF, s9;
	[sflag:s10] =	ssyncadd.s32 $0xFFFF8000  }
0xa0: {  	_ =	sfence.sel $0x180000  }
0xa1: {  	[bflag:$0x0] =	sbarrier.arrive $0xFFFF  }
0xa2: {  	p0 =	sne.s32 s1, $0x0;
	_ =	strace $0x90000050  }
0xa3: {  	s0 =	sadd.s32 @!p0 $0x100000, s0;
	[bflag:$0x2] =	sbarrier.arrive $0xFFFF  }
0xa4: {  	[sflag:s0] =	ssyncadd.tile.s32 @!p0 $0x1;
	_ =	shalt  }
.Lfunc_end2:
_tile_overlayer_lowered:
.L_overlay_start_2:
0xa5: {  	(tag) =	ssettag $0x2  }
0xa6: {  	s0 =	rddreg [dreg:$0x0];
	s2 =	stileid.u32  }
0xa7: {  	s1 =	rddreg [dreg:$0x1];
	p0 =	sne.s32 s2, $0x0  }
0xa8: {  	s3 =	rddreg [dreg:$0x2];
	[bflag:$0x3] =	sbarrier.arrive $0xFFFF;
	s2 =	simm.s32 @!p0 $0x1C02  }
0xa9: {  	[timem:s3], [sflag:s2] =	dma.local @!p0 [hbm:s0], s1  }
0xaa: {  	s0 =	simm.s32 @!p0 $0x2  }
0xab: {  	_ =	swait.ge @!p0 [sflag:s0], s1  }
0xac: {  	s1 =	ssub.s32 @!p0 $0x0, s1;
	[sflag:s0] =	ssyncset.done @!p0 $0x0  }
0xad: {  	[sflag:s0] =	ssyncadd.s32 @!p0 s1  }
0xae: {  	[bflag:$0x3] =	sbarrier.arrive $0xFFFF  }
0xaf: {  	_ =	shalt  }

// kernel: kernel.7.cloned.1.call-start
scs
__scs_entry_jumppad:
0x0: {  	(pc) =	sbr.rel $0x88, $3  }
0x1: {  	(tag) =	ssettag $0x0;
	lr =	simm.s32 $0x1  }
0x2: {  	[smem:$0x3F9C] =	sst lr;
	_ =	strace $0xD0000000  }
0x3: {  	_ = 	snop  }
0x4: {  	_ = 	snop  }
0x5: {  	_ = 	snop  }
0x6: {  	_ = 	snop  }
0x7: {  	_ = 	snop  }
__scs_overlays_trampoline_lowered:
0x8: {  	[smem:$0x3FAB] =	sst s0  }
0x9: {  	[smem:$0x3FAC] =	sst s1  }
0xa: {  	[smem:$0x3FAD] =	sst s2  }
0xb: {  	[smem:$0x3FAE] =	sst s3  }
0xc: {  	[smem:$0x3FAF] =	sst s4  }
0xd: {  	[smem:$0x3FB0] =	sst s5  }
0xe: {  	[smem:$0x3FB1] =	sst s6  }
0xf: {  	[smem:$0x3FB2] =	sst s7  }
0x10: {  	[smem:$0x3FB3] =	sst s8  }
0x11: {  	[smem:$0x3FB4] =	sst s9;
	s0 =	simm.s32 @!p0 $0x0  }
0x12: {  	s1 =	sld [smem:$0x3F9A];
	s0 =	simm.s32 @p0 $0x1  }
0x13: {  	[smem:$0x3FB5] =	sst s0;
	s0 =	simm.s32 @!p1 $0x0  }
0x14: {  	s2 =	sld [smem:$0x3F99];
	s0 =	simm.s32 @p1 $0x1  }
0x15: {  	[smem:$0x3FB6] =	sst s0;
	s0 =	simm.s32 @!p2 $0x0  }
0x16: {  	s3 =	sld [smem:$0x3FDB];
	s0 =	simm.s32 @p2 $0x1  }
0x17: {  	s4 =	simm.s32 $0x1BF5;
	[smem:$0x3FB8] =	sst s0  }
0x18: {  	s0 =	sld [smem:$0x3F9B];
	_ =	swait.ge [sflag:s4], $0x0  }
0x19: {  	s7 =	sld [smem:$0x3F9C]  }
0x1a: {  	s8 =	sadd.s32 $0xFFFFE003, lr  }
0x1b: {  	s9 =	sadd.s32 $0xFFFFFEF7, lr;
	s5 =	simm.s32 $0xFFFFFFFF;
	p2 =	slt.u32 s8, $0xFFFFF086  }
0x1c: {  	p1 =	slt.u32 s9, $0xF7A;
	s5 =	simm.s32 @!p2 $0x0  }
0x1d: {  	s5 =	simm.s32 @p1 $0x1;
	p0 =	seq.s32 s7, s2  }
0x1e: {  	s7 =	smul.u32 @!p0 $0xF7A, s2;
	p2 =	seq.s32 @!p0 s5, $0x0  }
0x1f: {  	s9 =	smul.u32 $0xF7A, s1;
	s8 =	simm.s32 @!p0 $0x1BF5;
	p2 =	por !p2, p0  }
0x20: {  	[sflag:s8] =	ssyncset.s32 @!p0 $0xFFFFF086;
	s6 =	sadd.s32 @!p0 s3, s7;
	s7 =	simm.s32 @!p0 $0x108  }
0x21: {  	s3 =	sadd.s32 s3, s9;
	s6 =	sadd.s32 @!p0 $0x88, s6;
	s7 =	simm.s32 @p2 $0x1082  }
0x22: {  	[simem:s7], [sflag:s8] =	dma.local @!p0 [hbm:s6], $0xF7A  }
0x23: {  	s9 =	sor.u32 $0xD0000000, s2;
	s6 =	simm.s32 $0x108;
	_ =	swait.ge @!p0 [sflag:s8], $0x0  }
0x24: {  	s3 =	sadd.s32 $0x88, s3;
	s6 =	simm.s32 @!p1 $0x1082;
	[sflag:s4] =	ssyncset.s32 $0xFFFFF086  }
0x25: {  	[simem:s6], [sflag:s4] =	dma.local [hbm:s3], $0xF7A  }
0x26: {  	[smem:$0x3F9C] =	sst s1;
	(tag) =	ssettag s2;
	_ =	strace s9  }
0x27: {  	s1 =	sld [smem:$0x3FAC]  }
0x28: {  	s2 =	sld [smem:$0x3FAD]  }
0x29: {  	s4 =	sld [smem:$0x3FAF]  }
0x2a: {  	p0 =	seq.s32 s5, $0x0;
	s5 =	sld [smem:$0x3FB0]  }
0x2b: {  	s6 =	sld [smem:$0x3FB1]  }
0x2c: {  	s7 =	sld [smem:$0x3FB2]  }
0x2d: {  	s3 =	simm.s32 $0x108;
	s8 =	sld [smem:$0x3FB3]  }
0x2e: {  	s3 =	simm.s32 @!p0 $0x1082;
	s9 =	sld [smem:$0x3FB4]  }
0x2f: {  	lr =	sadd.s32 s0, s3;
	s0 =	sld [smem:$0x3FAB]  }
0x30: {  	s3 =	sld [smem:$0x3FAE]  }
0x31: {  	[smem:$0x3FB7] =	sst s10  }
0x32: {  	s10 =	sld [smem:$0x3FB5];
	_ =	sdelay $0x3  }
0x33: {  	p0 =	seq.s32 s10, $0x1;
	s10 =	sld [smem:$0x3FB7];
	_ =	sdelay $0x3  }
0x34: {  	[smem:$0x3FB7] =	sst s10  }
0x35: {  	s10 =	sld [smem:$0x3FB6];
	_ =	sdelay $0x3  }
0x36: {  	p1 =	seq.s32 s10, $0x1;
	s10 =	sld [smem:$0x3FB7];
	_ =	sdelay $0x3  }
0x37: {  	[smem:$0x3FB7] =	sst s10  }
0x38: {  	s10 =	sld [smem:$0x3FB8]  }
0x39: {  	_ = 	snop;
	(pc) =	sbr.ind lr, $3  }
0x3a: {  	_ = 	snop  }
0x3b: {  	_ = 	snop  }
0x3c: {  	p2 =	seq.s32 s10, $0x1;
	s10 =	sld [smem:$0x3FB7]  }
0x3d: {  	_ =	shalt  }
0x3e: {  	_ =	shalt  }
0x3f: {  	_ =	shalt  }
0x40: {  	_ =	shalt  }
0x41: {  	_ =	shalt  }
0x42: {  	_ =	shalt  }
0x43: {  	_ =	shalt  }
0x44: {  	_ =	shalt  }
0x45: {  	_ =	shalt  }
0x46: {  	_ =	shalt  }
0x47: {  	_ =	shalt  }
0x48: {  	_ =	shalt  }
0x49: {  	_ =	shalt  }
0x4a: {  	_ =	shalt  }
0x4b: {  	_ =	shalt  }
0x4c: {  	_ =	shalt  }
0x4d: {  	_ =	shalt  }
0x4e: {  	_ =	shalt  }
0x4f: {  	_ =	shalt  }
0x50: {  	_ =	shalt  }
0x51: {  	_ =	shalt  }
0x52: {  	_ =	shalt  }
0x53: {  	_ =	shalt  }
0x54: {  	_ =	shalt  }
0x55: {  	_ =	shalt  }
0x56: {  	_ =	shalt  }
0x57: {  	_ =	shalt  }
0x58: {  	_ =	shalt  }
0x59: {  	_ =	shalt  }
0x5a: {  	_ =	shalt  }
0x5b: {  	_ =	shalt  }
0x5c: {  	_ =	shalt  }
0x5d: {  	_ =	shalt  }
0x5e: {  	_ =	shalt  }
0x5f: {  	_ =	shalt  }
0x60: {  	_ =	shalt  }
0x61: {  	_ =	shalt  }
0x62: {  	_ =	shalt  }
0x63: {  	_ =	shalt  }
0x64: {  	_ =	shalt  }
0x65: {  	_ =	shalt  }
0x66: {  	_ =	shalt  }
0x67: {  	_ =	shalt  }
0x68: {  	_ =	shalt  }
0x69: {  	_ =	shalt  }
0x6a: {  	_ =	shalt  }
0x6b: {  	_ =	shalt  }
0x6c: {  	_ =	shalt  }
0x6d: {  	_ =	shalt  }
0x6e: {  	_ =	shalt  }
0x6f: {  	_ =	shalt  }
0x70: {  	_ =	shalt  }
0x71: {  	_ =	shalt  }
0x72: {  	_ =	shalt  }
0x73: {  	_ =	shalt  }
0x74: {  	_ =	shalt  }
0x75: {  	_ =	shalt  }
0x76: {  	_ =	shalt  }
0x77: {  	_ =	shalt  }
0x78: {  	_ =	shalt  }
0x79: {  	_ =	shalt  }
0x7a: {  	_ =	shalt  }
0x7b: {  	_ =	shalt  }
0x7c: {  	_ =	shalt  }
0x7d: {  	_ =	shalt  }
0x7e: {  	_ =	shalt  }
0x7f: {  	_ =	shalt  }
0x80: {  	_ =	shalt  }
0x81: {  	_ =	shalt  }
0x82: {  	_ =	shalt  }
0x83: {  	_ =	shalt  }
0x84: {  	_ =	shalt  }
0x85: {  	_ =	shalt  }
0x86: {  	_ =	shalt  }
0x87: {  	_ =	shalt  }
.Lfunc_end0:
.L_simem_size_0:
called_computation.2_lowered:
.L_overlay_start_0:
0x88: {  	s2 =	sld [smem:$0x3FD9]  }
0x89: {  	s3 =	sld [smem:$0x3FFE];
	_ =	sdelay $0x1  }
0x8a: {  	s1 =	srdreg.scid  }
0x8b: {  	s0 =	sand.u32 $0x1, s1  }
0x8c: {  	s14 =	sshll.u32 s0, $0xA;
	s2 =	sadd.s32 s3, s2  }
0x8d: {  	s2 =	sadd.s32 s2, s14  }
0x8e: {  	[smem:$0x3FC3] =	sst s2  }
0x8f: {  	_ = 	snop  }
0x90: {  	s2 =	sld [smem:$0x3FD0];
	_ =	sdelay $0x2  }
0x91: {  	s15 =	simm.s32 $0xA;
	s4 =	simm.s32 $0x10  }
0x92: {  	[smem:s4], [sflag:s15] =	dma.local [hbm:s2], $0x1  }
0x93: {  	_ =	swait.eq [sflag:s15], $0x1  }
0x94: {  	[sflag:s15] =	ssyncset.done $0x0  }
0x95: {  	[sflag:s15] =	ssyncadd.s32 $0xFFFFFFFF  }
0x96: {  	s16 =	sld [smem:$0x10];
	(tm) =	ssettm $0x1  }
0x97: {  	s17 =	sld [smem:$0x3FFB];
	_ =	sdelay $0x3  }
0x98: {  	_ =	strace s17  }
0x99: {  	s3 =	sld [smem:$0x3FFC];
	_ =	sdelay $0x3  }
0x9a: {  	_ =	strace s3  }
0x9b: {  	s3 =	sld [smem:$0x3FFD];
	_ =	sdelay $0x3  }
0x9c: {  	_ =	strace s3  }
0x9d: {  	_ =	strace $0x8FFFFFFF  }
0x9e: {  	s18 =	sld [smem:$0x3FDB];
	_ =	sdelay $0x1  }
0x9f: {  	s19 =	simm.s32 $_scs_section_size  }
0xa0: {  	s5 =	simm.s32 $_size__tile_overlayer_lowered;
	s6 =	simm.s32 $_tile_overlayer_lowered  }
0xa1: {  	s22 =	simm.s32 $0x1BFF;
	s21 =	sshll.u32 s6, $0x1;
	s3 =	sadd.s32 s19, s18  }
0xa2: {  	s7 =	simm.s32 $0x0;
	s20 =	sshll.u32 s5, $0x1;
	s5 =	sadd.s32 s21, s3  }
0xa3: {  	[timem:s7], [sflag:s22] =	dma.local [hbm:s5], s20  }
0xa4: {  	_ =	swait.ge [sflag:s22], s20  }
0xa5: {  	s4 =	ssub.s32 $0x0, s20;
	[sflag:s22] =	ssyncset.done $0x0  }
0xa6: {  	[sflag:s22] =	ssyncadd.s32 s4;
	_ =	sdelay $0x1  }
0xa7: {  	s23 =	simm.s32 $0x1B8B  }
0xa8: {  	_ =	swait.ge [sflag:s23], $0x1  }
0xa9: {  	[sflag:s23] =	ssyncset.done $0x0  }
0xaa: {  	s25 =	simm.s32 $0x1B8E;
	s24 =	sld [smem:$0x3FFE];
	[sflag:s23] =	ssyncadd.s32 $0xFFFFFFFF  }
0xab: {  	s26 =	simm.s32 $execute0_lowered;
	[smem:$0x3FD2] =	sst s25  }
0xac: {  	s5 =	sshll.u32 s26, $0x1;
	_ =	strace $0x80000046;
	[dreg:$0x1] =	wrdreg $0xFFFFFFFF  }
0xad: {  	s28 =	simm.s32 $_size_execute0_lowered;
	s3 =	sadd.s32 s3, s5;
	[dreg:$0x0] =	wrdreg $0x0  }
0xae: {  	s5 =	sshll.u32 s28, $0x1;
	[dreg:$0x2] =	wrdreg s3  }
0xaf: {  	[dreg:$0x3] =	wrdreg s5  }
0xb0: {  	[dreg:$0x4] =	wrdreg $0xC0  }
0xb1: {  	_ =	task [dreg:s7], $0x5FFFF  }
0xb2: {  	[dreg:$0x1] =	wrdreg $0xFFFFFFFF  }
0xb3: {  	[dreg:$0x0] =	wrdreg $0x60  }
0xb4: {  	[dreg:$0x2] =	wrdreg s16  }
0xb5: {  	[dreg:$0x3] =	wrdreg s24  }
0xb6: {  	[dreg:$0x4] =	wrdreg $0x9  }
0xb7: {  	_ =	task.clear_ibuf [dreg:s7], $0x5FFFF;
	_ =	strace $0x90000046  }
0xb8: {  	s29 =	simm.s32 $0x9;
	_ =	strace $0x80000048  }
0xb9: {  	_ =	swait.ge [sflag:s29], $0x1  }
0xba: {  	[sflag:s29] =	ssyncadd.s32 $0xFFFFFFFF  }
0xbb: {  	_ =	strace $0x90000048  }
0xbc: {  	_ =	sfence  }
0xbd: {  	s30 =	sld [smem:$0x0];
	_ =	sdelay $0x2  }
0xbe: {  	s31 =	sshll.u32 s1, $0xD;
	s1 =	sshrl.u32 s1, $0x2  }
0xbf: {  	s3 =	sand.u32 $0x4000, s31;
	s1 =	sadd.s32 s1, s30  }
0xc0: {  	s0 =	sor.u32 s3, s0;
	s1 =	sshll.u32 s1, $0x11  }
0xc1: {  	s0 =	sor.u32 s1, s0  }
0xc2: {  	s0 =	sadd.s32 $0x8F2B, s0  }
0xc3: {  	[sflag:s0] =	ssyncadd.remote.s32 $0x1  }
0xc4: {  	_ =	sfence.sel $0xFFFF  }
0xc5: {  	[dreg:$0x0] =	wrdreg $0xFFFFFFFF;
	(pc) =	sbr.abs _section_cstart, $3  }
0xc6: {  	[dreg:$0x1] =	wrdreg $0xFFFFFFFF  }
0xc7: {  	_ =	task.clear_ibuf [dreg:s7], $0x2FFFF;
	_ =	strace $0x9FFFFFFF  }
0xc8: {  	(tm) =	ssettm $0x7FFFFFFF  }
0xc9: {  	_ =	shalt  }
tec
execute0_lowered:
.L_overlay_start_1:
0x0: {  	(tag) =	ssettag $0x1  }
0x1: {  	s1 =	rddreg [dreg:$0x0]  }
0x2: {  	s8 =	rddreg [dreg:$0x1]  }
0x3: {  	s0 =	rddreg [dreg:$0x2]  }
0x4: {  	s2 =	simm.s32 $0x0;
	s3 =	srdreg.scid;
	s13 =	simm.s32 $0x2  }
0x5: {  	s14 =	simm.s32 $0x100;
	s15 =	simm.s32 $0x900;
	s16 =	simm.s32 $0x1100  }
0x6: {  	s17 =	simm.s32 $0x1900;
	s18 =	simm.s32 $0x2100;
	s19 =	simm.s32 $0x2900  }
0x7: {  	s20 =	simm.s32 $0x3100;
	s21 =	simm.s32 $0x3900;
	s22 =	simm.s32 $0x4100  }
0x8: {  	s23 =	simm.s32 $0x4900;
	s24 =	simm.s32 $0x5100;
	s25 =	simm.s32 $0x5900  }
0x9: {  	s26 =	simm.s32 $0x6100;
	s28 =	simm.s32 $0x6900;
	s29 =	simm.s32 $0x7100  }
0xa: {  	s30 =	simm.s32 $0x7900;
	s31 =	simm.s32 $0x1;
	[smem:$0x7FF] =	sst s2  }
0xb: {  	s9 =	sadd.s32 $0x9800, s8;
	s4 =	sand.u32 $0x1, s3;
	s10 =	sadd.s32 $0x1200, s8  }
0xc: {  	s3 =	stileid.u32;
	_ =	strace $0x80000047;
	s5 =	ssub.s32 $0x2, s4  }
0xd: {  	s7 =	sshll.u32 s3, $0x5;
	s11 =	sshll.u32 s4, $0x4;
	s4 =	sadd.s32 $0x9A00, s8  }
0xe: {  	s8 =	sadd.s32 $0x9B00, s8;
	s6 =	sshrl.u32 s5, $0x1;
	s7 =	sor.u32 s11, s7  }
0xf: {  	v2 =	vlaneseq.u32;
	s12 =	ssub.s32 s5, s6;
	s5 =	sadd.s32 s9, s7;
	s11 =	sor.u32 $0x8, s7  }
0x10: {  	vm0 =	vmmov $0xffff;
	v1 =	vshrl.u32 v2, $0x3;
	s6 =	sadd.s32 s10, s7;
	s7 =	sadd.s32 $0x100, s1;
	s9 =	sadd.s32 s9, s11  }
0x11: {  	v0 =	vand.u32 $0x7, v2;
	v2 =	vor.u32 $0x8, v2;
	v1 =	vmul.u32 $0x8, v1;
	s10 =	sadd.s32 s10, s11;
	s11 =	smax.u32 s12, $0x1;
	s12 =	simm.s32 $0x80  }
.LBB2_1:
0x12: {  	[tilespmem:s12], [sflag:$0x2] =	stream.linear.gather [hbm4b:s5+s2], $0x40, $0x38;
	[tilespmem:$0x8100] =	vst v63  }
0x13: {  	_ =	swait.ge [sflag:s13], $0x40  }
0x14: {  	[sflag:s13] =	ssyncset.done $0x0  }
0x15: {  	[sflag:s13] =	ssyncadd.s32 $0xFFFFFFC0  }
0x16: {  	[tilespmem:s2], [sflag:$0x2] =	stream.linear.gather [hbm4b:s6+s2], $0x40, $0x38;
	[tilespmem:$0x8100] =	vst v63  }
0x17: {  	_ =	swait.ge [sflag:s13], $0x40  }
0x18: {  	[sflag:s13] =	ssyncset.done $0x0  }
0x19: {  	[sflag:s13] =	ssyncadd.s32 $0xFFFFFFC0  }
0x1a: {  	v3 =	vld [tilespmem:$0x0];
	_ =	sdelay $0x4  }
0x1b: {  	v4 =	vshll.u32 v3, $0x2  }
0x1c: {  	v3 =	vand.u32 $0x7, v3;
	v4 =	vand.u32 $0xFFFFFFE0, v4  }
0x1d: {  	v3 =	vor.u32 v3, v4  }
0x1e: {  	v4 =	vperm.xlane v3, v0;
	_ =	sdelay $0x1  }
0x1f: {  	v4 =	vadd.s32 v1, v4;
	_ =	sdelay $0x1  }
0x20: {  	v3 =	vperm.xlane v3, v2;
	_ =	sdelay $0x1  }
0x21: {  	v3 =	vadd.s32 v1, v3  }
0x22: {  	[tilespmem:s14], [sflag:$0x1] =	stream.indirect_vreg.gather [hbm4b:s1+s2], $0x80, v4, vm0, $0xb8;
	[tilespmem:$0x8100] =	vst v63  }
0x23: {  	_ = 	snop  }
0x24: {  	[tilespmem:s15], [sflag:$0x1] =	stream.indirect_vreg.gather [hbm4b:s7+s2], $0x80, v4, vm0, $0xb8;
	[tilespmem:$0x8100] =	vst v63  }
0x25: {  	_ = 	snop  }
0x26: {  	[tilespmem:s16], [sflag:$0x1] =	stream.indirect_vreg.gather [hbm4b:s1+s2], $0x80, v3, vm0, $0xb8;
	[tilespmem:$0x8100] =	vst v63  }
0x27: {  	_ = 	snop  }
0x28: {  	[tilespmem:s17], [sflag:$0x1] =	stream.indirect_vreg.gather [hbm4b:s7+s2], $0x80, v3, vm0, $0xb8;
	[tilespmem:$0x8100] =	vst v63  }
0x29: {  	v3 =	vld [tilespmem:$0x10];
	_ =	sdelay $0x4  }
0x2a: {  	v49 =	vshll.u32 v3, $0x2  }
0x2b: {  	v3 =	vand.u32 $0x7, v3;
	v4 =	vand.u32 $0xFFFFFFE0, v49  }
0x2c: {  	v3 =	vor.u32 v3, v4  }
0x2d: {  	v4 =	vperm.xlane v3, v0;
	_ =	sdelay $0x1  }
0x2e: {  	v4 =	vadd.s32 v1, v4;
	_ =	sdelay $0x1  }
0x2f: {  	v3 =	vperm.xlane v3, v2;
	_ =	sdelay $0x1  }
0x30: {  	v3 =	vadd.s32 v1, v3  }
0x31: {  	[tilespmem:s18], [sflag:$0x1] =	stream.indirect_vreg.gather [hbm4b:s1+s2], $0x80, v4, vm0, $0xb8;
	[tilespmem:$0x8100] =	vst v63  }
0x32: {  	_ = 	snop  }
0x33: {  	[tilespmem:s19], [sflag:$0x1] =	stream.indirect_vreg.gather [hbm4b:s7+s2], $0x80, v4, vm0, $0xb8;
	[tilespmem:$0x8100] =	vst v63  }
0x34: {  	_ = 	snop  }
0x35: {  	[tilespmem:s20], [sflag:$0x1] =	stream.indirect_vreg.gather [hbm4b:s1+s2], $0x80, v3, vm0, $0xb8;
	[tilespmem:$0x8100] =	vst v63  }
0x36: {  	_ = 	snop  }
0x37: {  	[tilespmem:s21], [sflag:$0x1] =	stream.indirect_vreg.gather [hbm4b:s7+s2], $0x80, v3, vm0, $0xb8;
	[tilespmem:$0x8100] =	vst v63  }
0x38: {  	v3 =	vld [tilespmem:$0x20];
	_ =	sdelay $0x4  }
0x39: {  	v50 =	vshll.u32 v3, $0x2  }
0x3a: {  	v3 =	vand.u32 $0x7, v3;
	v4 =	vand.u32 $0xFFFFFFE0, v50  }
0x3b: {  	v3 =	vor.u32 v3, v4  }
0x3c: {  	v4 =	vperm.xlane v3, v0;
	_ =	sdelay $0x1  }
0x3d: {  	v4 =	vadd.s32 v1, v4;
	_ =	sdelay $0x1  }
0x3e: {  	v3 =	vperm.xlane v3, v2;
	_ =	sdelay $0x1  }
0x3f: {  	v3 =	vadd.s32 v1, v3  }
0x40: {  	[tilespmem:s22], [sflag:$0x1] =	stream.indirect_vreg.gather [hbm4b:s1+s2], $0x80, v4, vm0, $0xb8;
	[tilespmem:$0x8100] =	vst v63  }
0x41: {  	_ = 	snop  }
0x42: {  	[tilespmem:s23], [sflag:$0x1] =	stream.indirect_vreg.gather [hbm4b:s7+s2], $0x80, v4, vm0, $0xb8;
	[tilespmem:$0x8100] =	vst v63  }
0x43: {  	_ = 	snop  }
0x44: {  	[tilespmem:s24], [sflag:$0x1] =	stream.indirect_vreg.gather [hbm4b:s1+s2], $0x80, v3, vm0, $0xb8;
	[tilespmem:$0x8100] =	vst v63  }
0x45: {  	_ = 	snop  }
0x46: {  	[tilespmem:s25], [sflag:$0x1] =	stream.indirect_vreg.gather [hbm4b:s7+s2], $0x80, v3, vm0, $0xb8;
	[tilespmem:$0x8100] =	vst v63  }
0x47: {  	v3 =	vld [tilespmem:$0x30];
	_ =	sdelay $0x4  }
0x48: {  	v51 =	vshll.u32 v3, $0x2  }
0x49: {  	v3 =	vand.u32 $0x7, v3;
	v4 =	vand.u32 $0xFFFFFFE0, v51  }
0x4a: {  	v3 =	vor.u32 v3, v4  }
0x4b: {  	v4 =	vperm.xlane v3, v0;
	_ =	sdelay $0x1  }
0x4c: {  	v4 =	vadd.s32 v1, v4;
	_ =	sdelay $0x1  }
0x4d: {  	v3 =	vperm.xlane v3, v2;
	_ =	sdelay $0x1  }
0x4e: {  	v3 =	vadd.s32 v1, v3  }
0x4f: {  	[tilespmem:s26], [sflag:$0x1] =	stream.indirect_vreg.gather [hbm4b:s1+s2], $0x80, v4, vm0, $0xb8;
	[tilespmem:$0x8100] =	vst v63  }
0x50: {  	_ = 	snop  }
0x51: {  	[tilespmem:s28], [sflag:$0x1] =	stream.indirect_vreg.gather [hbm4b:s7+s2], $0x80, v4, vm0, $0xb8;
	[tilespmem:$0x8100] =	vst v63  }
0x52: {  	_ = 	snop  }
0x53: {  	[tilespmem:s29], [sflag:$0x1] =	stream.indirect_vreg.gather [hbm4b:s1+s2], $0x80, v3, vm0, $0xb8;
	[tilespmem:$0x8100] =	vst v63  }
0x54: {  	_ = 	snop  }
0x55: {  	[tilespmem:s30], [sflag:$0x1] =	stream.indirect_vreg.gather [hbm4b:s7+s2], $0x80, v3, vm0, $0xb8;
	[tilespmem:$0x8100] =	vst v63  }
0x56: {  	_ =	swait.ge [sflag:s31], $0x8000  }
0x57: {  	[sflag:s31] =	ssyncset.done $0x0  }
0x58: {  	[sflag:s31] =	ssyncadd.s32 $0xFFFF8000  }
0x59: {  	v3 =	vld [tilespmem:$0x80];
	_ =	sdelay $0x4  }
0x5a: {  	v52 =	vshll.u32 v3, $0x2  }
0x5b: {  	v3 =	vand.u32 $0x7, v3;
	v4 =	vand.u32 $0xFFFFFFE0, v52  }
0x5c: {  	v3 =	vor.u32 v3, v4  }
0x5d: {  	v4 =	vperm.xlane v3, v0;
	_ =	sdelay $0x1  }
0x5e: {  	v4 =	vadd.s32 v1, v4;
	_ =	sdelay $0x1  }
0x5f: {  	v3 =	vperm.xlane v3, v2;
	_ =	sdelay $0x1  }
0x60: {  	v3 =	vadd.s32 v1, v3  }
0x61: {  	[hbm4b:s4+s2] =	stream.indirect_vreg.scatter [tilespmem:s14], [sflag:$0x1], $0x80, v4, vm0, $0xb8;
	[tilespmem:$0x8100] =	vst v63  }
0x62: {  	_ = 	snop  }
0x63: {  	[hbm4b:s8+s2] =	stream.indirect_vreg.scatter [tilespmem:s15], [sflag:$0x1], $0x80, v4, vm0, $0xb8;
	[tilespmem:$0x8100] =	vst v63  }
0x64: {  	_ = 	snop  }
0x65: {  	[hbm4b:s4+s2] =	stream.indirect_vreg.scatter [tilespmem:s16], [sflag:$0x1], $0x80, v3, vm0, $0xb8;
	[tilespmem:$0x8100] =	vst v63  }
0x66: {  	_ = 	snop  }
0x67: {  	[hbm4b:s8+s2] =	stream.indirect_vreg.scatter [tilespmem:s17], [sflag:$0x1], $0x80, v3, vm0, $0xb8;
	[tilespmem:$0x8100] =	vst v63  }
0x68: {  	v3 =	vld [tilespmem:$0x90];
	_ =	sdelay $0x4  }
0x69: {  	v53 =	vshll.u32 v3, $0x2  }
0x6a: {  	v3 =	vand.u32 $0x7, v3;
	v4 =	vand.u32 $0xFFFFFFE0, v53  }
0x6b: {  	v3 =	vor.u32 v3, v4  }
0x6c: {  	v4 =	vperm.xlane v3, v0;
	_ =	sdelay $0x1  }
0x6d: {  	v4 =	vadd.s32 v1, v4;
	_ =	sdelay $0x1  }
0x6e: {  	v3 =	vperm.xlane v3, v2;
	_ =	sdelay $0x1  }
0x6f: {  	v3 =	vadd.s32 v1, v3  }
0x70: {  	[hbm4b:s4+s2] =	stream.indirect_vreg.scatter [tilespmem:s18], [sflag:$0x1], $0x80, v4, vm0, $0xb8;
	[tilespmem:$0x8100] =	vst v63  }
0x71: {  	_ = 	snop  }
0x72: {  	[hbm4b:s8+s2] =	stream.indirect_vreg.scatter [tilespmem:s19], [sflag:$0x1], $0x80, v4, vm0, $0xb8;
	[tilespmem:$0x8100] =	vst v63  }
0x73: {  	_ = 	snop  }
0x74: {  	[hbm4b:s4+s2] =	stream.indirect_vreg.scatter [tilespmem:s20], [sflag:$0x1], $0x80, v3, vm0, $0xb8;
	[tilespmem:$0x8100] =	vst v63  }
0x75: {  	_ = 	snop  }
0x76: {  	[hbm4b:s8+s2] =	stream.indirect_vreg.scatter [tilespmem:s21], [sflag:$0x1], $0x80, v3, vm0, $0xb8;
	[tilespmem:$0x8100] =	vst v63  }
0x77: {  	v3 =	vld [tilespmem:$0xA0];
	_ =	sdelay $0x4  }
0x78: {  	v54 =	vshll.u32 v3, $0x2  }
0x79: {  	v3 =	vand.u32 $0x7, v3;
	v4 =	vand.u32 $0xFFFFFFE0, v54  }
0x7a: {  	v3 =	vor.u32 v3, v4  }
0x7b: {  	v4 =	vperm.xlane v3, v0;
	_ =	sdelay $0x1  }
0x7c: {  	v4 =	vadd.s32 v1, v4;
	_ =	sdelay $0x1  }
0x7d: {  	v3 =	vperm.xlane v3, v2;
	_ =	sdelay $0x1  }
0x7e: {  	v3 =	vadd.s32 v1, v3  }
0x7f: {  	[hbm4b:s4+s2] =	stream.indirect_vreg.scatter [tilespmem:s22], [sflag:$0x1], $0x80, v4, vm0, $0xb8;
	[tilespmem:$0x8100] =	vst v63  }
0x80: {  	_ = 	snop  }
0x81: {  	[hbm4b:s8+s2] =	stream.indirect_vreg.scatter [tilespmem:s23], [sflag:$0x1], $0x80, v4, vm0, $0xb8;
	[tilespmem:$0x8100] =	vst v63  }
0x82: {  	_ = 	snop  }
0x83: {  	[hbm4b:s4+s2] =	stream.indirect_vreg.scatter [tilespmem:s24], [sflag:$0x1], $0x80, v3, vm0, $0xb8;
	[tilespmem:$0x8100] =	vst v63  }
0x84: {  	_ = 	snop  }
0x85: {  	[hbm4b:s8+s2] =	stream.indirect_vreg.scatter [tilespmem:s25], [sflag:$0x1], $0x80, v3, vm0, $0xb8;
	[tilespmem:$0x8100] =	vst v63  }
0x86: {  	v3 =	vld [tilespmem:$0xB0];
	_ =	sdelay $0x4  }
0x87: {  	v55 =	vshll.u32 v3, $0x2  }
0x88: {  	v3 =	vand.u32 $0x7, v3;
	v4 =	vand.u32 $0xFFFFFFE0, v55  }
0x89: {  	v3 =	vor.u32 v3, v4  }
0x8a: {  	v4 =	vperm.xlane v3, v0;
	_ =	sdelay $0x1  }
0x8b: {  	v4 =	vadd.s32 v1, v4;
	_ =	sdelay $0x1  }
0x8c: {  	v3 =	vperm.xlane v3, v2;
	_ =	sdelay $0x1  }
0x8d: {  	v3 =	vadd.s32 v1, v3  }
0x8e: {  	[hbm4b:s4+s2] =	stream.indirect_vreg.scatter [tilespmem:s26], [sflag:$0x1], $0x80, v4, vm0, $0xb8;
	[tilespmem:$0x8100] =	vst v63  }
0x8f: {  	_ = 	snop  }
0x90: {  	[hbm4b:s8+s2] =	stream.indirect_vreg.scatter [tilespmem:s28], [sflag:$0x1], $0x80, v4, vm0, $0xb8;
	[tilespmem:$0x8100] =	vst v63  }
0x91: {  	_ = 	snop  }
0x92: {  	[hbm4b:s4+s2] =	stream.indirect_vreg.scatter [tilespmem:s29], [sflag:$0x1], $0x80, v3, vm0, $0xb8;
	[tilespmem:$0x8100] =	vst v63  }
0x93: {  	_ = 	snop  }
0x94: {  	[hbm4b:s8+s2] =	stream.indirect_vreg.scatter [tilespmem:s30], [sflag:$0x1], $0x80, v3, vm0, $0xb8;
	[tilespmem:$0x8100] =	vst v63  }
0x95: {  	_ =	swait.ge [sflag:s31], $0x8000  }
0x96: {  	[sflag:s31] =	ssyncset.done $0x0  }
0x97: {  	[sflag:s31] =	ssyncadd.s32 $0xFFFF8000  }
0x98: {  	[tilespmem:s12], [sflag:$0x2] =	stream.linear.gather [hbm4b:s9+s2], $0x40, $0x38;
	[tilespmem:$0x8100] =	vst v63  }
0x99: {  	_ =	swait.ge [sflag:s13], $0x40  }
0x9a: {  	[sflag:s13] =	ssyncset.done $0x0  }
0x9b: {  	[sflag:s13] =	ssyncadd.s32 $0xFFFFFFC0  }
0x9c: {  	[tilespmem:s2], [sflag:$0x2] =	stream.linear.gather [hbm4b:s10+s2], $0x40, $0x38;
	[tilespmem:$0x8100] =	vst v63  }
0x9d: {  	_ =	swait.ge [sflag:s13], $0x40  }
0x9e: {  	[sflag:s13] =	ssyncset.done $0x0  }
0x9f: {  	[sflag:s13] =	ssyncadd.s32 $0xFFFFFFC0  }
0xa0: {  	v3 =	vld [tilespmem:$0x0];
	_ =	sdelay $0x4  }
0xa1: {  	v56 =	vshll.u32 v3, $0x2  }
0xa2: {  	v3 =	vand.u32 $0x7, v3;
	v4 =	vand.u32 $0xFFFFFFE0, v56  }
0xa3: {  	v3 =	vor.u32 v3, v4  }
0xa4: {  	v4 =	vperm.xlane v3, v0;
	_ =	sdelay $0x1  }
0xa5: {  	v4 =	vadd.s32 v1, v4;
	_ =	sdelay $0x1  }
0xa6: {  	v3 =	vperm.xlane v3, v2;
	_ =	sdelay $0x1  }
0xa7: {  	v3 =	vadd.s32 v1, v3  }
0xa8: {  	[tilespmem:s14], [sflag:$0x1] =	stream.indirect_vreg.gather [hbm4b:s1+s2], $0x80, v4, vm0, $0xb8;
	[tilespmem:$0x8100] =	vst v63  }
0xa9: {  	_ = 	snop  }
0xaa: {  	[tilespmem:s15], [sflag:$0x1] =	stream.indirect_vreg.gather [hbm4b:s7+s2], $0x80, v4, vm0, $0xb8;
	[tilespmem:$0x8100] =	vst v63  }
0xab: {  	_ = 	snop  }
0xac: {  	[tilespmem:s16], [sflag:$0x1] =	stream.indirect_vreg.gather [hbm4b:s1+s2], $0x80, v3, vm0, $0xb8;
	[tilespmem:$0x8100] =	vst v63  }
0xad: {  	_ = 	snop  }
0xae: {  	[tilespmem:s17], [sflag:$0x1] =	stream.indirect_vreg.gather [hbm4b:s7+s2], $0x80, v3, vm0, $0xb8;
	[tilespmem:$0x8100] =	vst v63  }
0xaf: {  	v3 =	vld [tilespmem:$0x10];
	_ =	sdelay $0x4  }
0xb0: {  	v57 =	vshll.u32 v3, $0x2  }
0xb1: {  	v3 =	vand.u32 $0x7, v3;
	v4 =	vand.u32 $0xFFFFFFE0, v57  }
0xb2: {  	v3 =	vor.u32 v3, v4  }
0xb3: {  	v4 =	vperm.xlane v3, v0;
	_ =	sdelay $0x1  }
0xb4: {  	v4 =	vadd.s32 v1, v4;
	_ =	sdelay $0x1  }
0xb5: {  	v3 =	vperm.xlane v3, v2;
	_ =	sdelay $0x1  }
0xb6: {  	v3 =	vadd.s32 v1, v3  }
0xb7: {  	[tilespmem:s18], [sflag:$0x1] =	stream.indirect_vreg.gather [hbm4b:s1+s2], $0x80, v4, vm0, $0xb8;
	[tilespmem:$0x8100] =	vst v63  }
0xb8: {  	_ = 	snop  }
0xb9: {  	[tilespmem:s19], [sflag:$0x1] =	stream.indirect_vreg.gather [hbm4b:s7+s2], $0x80, v4, vm0, $0xb8;
	[tilespmem:$0x8100] =	vst v63  }
0xba: {  	_ = 	snop  }
0xbb: {  	[tilespmem:s20], [sflag:$0x1] =	stream.indirect_vreg.gather [hbm4b:s1+s2], $0x80, v3, vm0, $0xb8;
	[tilespmem:$0x8100] =	vst v63  }
0xbc: {  	_ = 	snop  }
0xbd: {  	[tilespmem:s21], [sflag:$0x1] =	stream.indirect_vreg.gather [hbm4b:s7+s2], $0x80, v3, vm0, $0xb8;
	[tilespmem:$0x8100] =	vst v63  }
0xbe: {  	v3 =	vld [tilespmem:$0x20];
	_ =	sdelay $0x4  }
0xbf: {  	v58 =	vshll.u32 v3, $0x2  }
0xc0: {  	v3 =	vand.u32 $0x7, v3;
	v4 =	vand.u32 $0xFFFFFFE0, v58  }
0xc1: {  	v3 =	vor.u32 v3, v4  }
0xc2: {  	v4 =	vperm.xlane v3, v0;
	_ =	sdelay $0x1  }
0xc3: {  	v4 =	vadd.s32 v1, v4;
	_ =	sdelay $0x1  }
0xc4: {  	v3 =	vperm.xlane v3, v2;
	_ =	sdelay $0x1  }
0xc5: {  	v3 =	vadd.s32 v1, v3  }
0xc6: {  	[tilespmem:s22], [sflag:$0x1] =	stream.indirect_vreg.gather [hbm4b:s1+s2], $0x80, v4, vm0, $0xb8;
	[tilespmem:$0x8100] =	vst v63  }
0xc7: {  	_ = 	snop  }
0xc8: {  	[tilespmem:s23], [sflag:$0x1] =	stream.indirect_vreg.gather [hbm4b:s7+s2], $0x80, v4, vm0, $0xb8;
	[tilespmem:$0x8100] =	vst v63  }
0xc9: {  	_ = 	snop  }
0xca: {  	[tilespmem:s24], [sflag:$0x1] =	stream.indirect_vreg.gather [hbm4b:s1+s2], $0x80, v3, vm0, $0xb8;
	[tilespmem:$0x8100] =	vst v63  }
0xcb: {  	_ = 	snop  }
0xcc: {  	[tilespmem:s25], [sflag:$0x1] =	stream.indirect_vreg.gather [hbm4b:s7+s2], $0x80, v3, vm0, $0xb8;
	[tilespmem:$0x8100] =	vst v63  }
0xcd: {  	v3 =	vld [tilespmem:$0x30];
	_ =	sdelay $0x4  }
0xce: {  	v59 =	vshll.u32 v3, $0x2  }
0xcf: {  	v3 =	vand.u32 $0x7, v3;
	v4 =	vand.u32 $0xFFFFFFE0, v59  }
0xd0: {  	v3 =	vor.u32 v3, v4  }
0xd1: {  	v4 =	vperm.xlane v3, v0;
	_ =	sdelay $0x1  }
0xd2: {  	v4 =	vadd.s32 v1, v4;
	_ =	sdelay $0x1  }
0xd3: {  	v3 =	vperm.xlane v3, v2;
	_ =	sdelay $0x1  }
0xd4: {  	v3 =	vadd.s32 v1, v3  }
0xd5: {  	[tilespmem:s26], [sflag:$0x1] =	stream.indirect_vreg.gather [hbm4b:s1+s2], $0x80, v4, vm0, $0xb8;
	[tilespmem:$0x8100] =	vst v63  }
0xd6: {  	_ = 	snop  }
0xd7: {  	[tilespmem:s28], [sflag:$0x1] =	stream.indirect_vreg.gather [hbm4b:s7+s2], $0x80, v4, vm0, $0xb8;
	[tilespmem:$0x8100] =	vst v63  }
0xd8: {  	_ = 	snop  }
0xd9: {  	[tilespmem:s29], [sflag:$0x1] =	stream.indirect_vreg.gather [hbm4b:s1+s2], $0x80, v3, vm0, $0xb8;
	[tilespmem:$0x8100] =	vst v63  }
0xda: {  	_ = 	snop  }
0xdb: {  	[tilespmem:s30], [sflag:$0x1] =	stream.indirect_vreg.gather [hbm4b:s7+s2], $0x80, v3, vm0, $0xb8;
	[tilespmem:$0x8100] =	vst v63  }
0xdc: {  	_ =	swait.ge [sflag:s31], $0x8000  }
0xdd: {  	[sflag:s31] =	ssyncset.done $0x0  }
0xde: {  	[sflag:s31] =	ssyncadd.s32 $0xFFFF8000  }
0xdf: {  	v3 =	vld [tilespmem:$0x80];
	_ =	sdelay $0x4  }
0xe0: {  	v60 =	vshll.u32 v3, $0x2  }
0xe1: {  	v3 =	vand.u32 $0x7, v3;
	v4 =	vand.u32 $0xFFFFFFE0, v60  }
0xe2: {  	v3 =	vor.u32 v3, v4  }
0xe3: {  	v4 =	vperm.xlane v3, v0;
	_ =	sdelay $0x1  }
0xe4: {  	v4 =	vadd.s32 v1, v4;
	_ =	sdelay $0x1  }
0xe5: {  	v3 =	vperm.xlane v3, v2;
	_ =	sdelay $0x1  }
0xe6: {  	v3 =	vadd.s32 v1, v3  }
0xe7: {  	[hbm4b:s4+s2] =	stream.indirect_vreg.scatter [tilespmem:s14], [sflag:$0x1], $0x80, v4, vm0, $0xb8;
	[tilespmem:$0x8100] =	vst v63  }
0xe8: {  	_ = 	snop  }
0xe9: {  	[hbm4b:s8+s2] =	stream.indirect_vreg.scatter [tilespmem:s15], [sflag:$0x1], $0x80, v4, vm0, $0xb8;
	[tilespmem:$0x8100] =	vst v63  }
0xea: {  	_ = 	snop  }
0xeb: {  	[hbm4b:s4+s2] =	stream.indirect_vreg.scatter [tilespmem:s16], [sflag:$0x1], $0x80, v3, vm0, $0xb8;
	[tilespmem:$0x8100] =	vst v63  }
0xec: {  	_ = 	snop  }
0xed: {  	[hbm4b:s8+s2] =	stream.indirect_vreg.scatter [tilespmem:s17], [sflag:$0x1], $0x80, v3, vm0, $0xb8;
	[tilespmem:$0x8100] =	vst v63  }
0xee: {  	v3 =	vld [tilespmem:$0x90];
	_ =	sdelay $0x4  }
0xef: {  	v61 =	vshll.u32 v3, $0x2  }
0xf0: {  	v3 =	vand.u32 $0x7, v3;
	v4 =	vand.u32 $0xFFFFFFE0, v61  }
0xf1: {  	v3 =	vor.u32 v3, v4  }
0xf2: {  	v4 =	vperm.xlane v3, v0;
	_ =	sdelay $0x1  }
0xf3: {  	v4 =	vadd.s32 v1, v4;
	_ =	sdelay $0x1  }
0xf4: {  	v3 =	vperm.xlane v3, v2;
	_ =	sdelay $0x1  }
0xf5: {  	v3 =	vadd.s32 v1, v3  }
0xf6: {  	[hbm4b:s4+s2] =	stream.indirect_vreg.scatter [tilespmem:s18], [sflag:$0x1], $0x80, v4, vm0, $0xb8;
	[tilespmem:$0x8100] =	vst v63  }
0xf7: {  	_ = 	snop  }
0xf8: {  	[hbm4b:s8+s2] =	stream.indirect_vreg.scatter [tilespmem:s19], [sflag:$0x1], $0x80, v4, vm0, $0xb8;
	[tilespmem:$0x8100] =	vst v63  }
0xf9: {  	_ = 	snop  }
0xfa: {  	[hbm4b:s4+s2] =	stream.indirect_vreg.scatter [tilespmem:s20], [sflag:$0x1], $0x80, v3, vm0, $0xb8;
	[tilespmem:$0x8100] =	vst v63  }
0xfb: {  	_ = 	snop  }
0xfc: {  	[hbm4b:s8+s2] =	stream.indirect_vreg.scatter [tilespmem:s21], [sflag:$0x1], $0x80, v3, vm0, $0xb8;
	[tilespmem:$0x8100] =	vst v63  }
0xfd: {  	v3 =	vld [tilespmem:$0xA0];
	_ =	sdelay $0x4  }
0xfe: {  	v62 =	vshll.u32 v3, $0x2  }
0xff: {  	v3 =	vand.u32 $0x7, v3;
	v4 =	vand.u32 $0xFFFFFFE0, v62  }
0x100: {  	v3 =	vor.u32 v3, v4  }
0x101: {  	v4 =	vperm.xlane v3, v0;
	_ =	sdelay $0x1  }
0x102: {  	v4 =	vadd.s32 v1, v4;
	_ =	sdelay $0x1  }
0x103: {  	v3 =	vperm.xlane v3, v2;
	_ =	sdelay $0x1  }
0x104: {  	v3 =	vadd.s32 v1, v3  }
0x105: {  	[hbm4b:s4+s2] =	stream.indirect_vreg.scatter [tilespmem:s22], [sflag:$0x1], $0x80, v4, vm0, $0xb8;
	[tilespmem:$0x8100] =	vst v63  }
0x106: {  	_ = 	snop  }
0x107: {  	[hbm4b:s8+s2] =	stream.indirect_vreg.scatter [tilespmem:s23], [sflag:$0x1], $0x80, v4, vm0, $0xb8;
	[tilespmem:$0x8100] =	vst v63  }
0x108: {  	_ = 	snop  }
0x109: {  	[hbm4b:s4+s2] =	stream.indirect_vreg.scatter [tilespmem:s24], [sflag:$0x1], $0x80, v3, vm0, $0xb8;
	[tilespmem:$0x8100] =	vst v63  }
0x10a: {  	_ = 	snop  }
0x10b: {  	[hbm4b:s8+s2] =	stream.indirect_vreg.scatter [tilespmem:s25], [sflag:$0x1], $0x80, v3, vm0, $0xb8;
	[tilespmem:$0x8100] =	vst v63  }
0x10c: {  	v3 =	vld [tilespmem:$0xB0];
	_ =	sdelay $0x4  }
0x10d: {  	v63 =	vshll.u32 v3, $0x2  }
0x10e: {  	v3 =	vand.u32 $0x7, v3;
	v4 =	vand.u32 $0xFFFFFFE0, v63  }
0x10f: {  	v3 =	vor.u32 v3, v4  }
0x110: {  	v4 =	vperm.xlane v3, v0;
	_ =	sdelay $0x1  }
0x111: {  	v4 =	vadd.s32 v1, v4;
	_ =	sdelay $0x1  }
0x112: {  	v3 =	vperm.xlane v3, v2;
	_ =	sdelay $0x1  }
0x113: {  	v3 =	vadd.s32 v1, v3  }
0x114: {  	[hbm4b:s4+s2] =	stream.indirect_vreg.scatter [tilespmem:s26], [sflag:$0x1], $0x80, v4, vm0, $0xb8;
	[tilespmem:$0x8100] =	vst v63  }
0x115: {  	_ = 	snop  }
0x116: {  	[hbm4b:s8+s2] =	stream.indirect_vreg.scatter [tilespmem:s28], [sflag:$0x1], $0x80, v4, vm0, $0xb8;
	[tilespmem:$0x8100] =	vst v63  }
0x117: {  	p0 =	sne.s32 s11, $0x1  }
0x118: {  	[hbm4b:s4+s2] =	stream.indirect_vreg.scatter [tilespmem:s29], [sflag:$0x1], $0x80, v3, vm0, $0xb8;
	[tilespmem:$0x8100] =	vst v63  }
.Ltmp0:
0x119: {  	_ = 	snop;
	(pc) =	sbr.rel @p0 .LBB2_1-.Ltmp0, $4  }
0x11a: {  	[hbm4b:s8+s2] =	stream.indirect_vreg.scatter [tilespmem:s30], [sflag:$0x1], $0x80, v3, vm0, $0xb8;
	[tilespmem:$0x8100] =	vst v63  }
0x11b: {  	_ =	swait.ge [sflag:s31], $0x8000  }
0x11c: {  	[sflag:s31] =	ssyncset.done $0x0  }
0x11d: {  	s11 =	sadd.s32 $0xFFFFFFFF, s11;
	[sflag:s31] =	ssyncadd.s32 $0xFFFF8000  }
0x11e: {  	_ =	sfence.sel $0x180000  }
0x11f: {  	[bflag:$0x0] =	sbarrier.arrive $0xFFFF  }
0x120: {  	p0 =	sne.s32 s3, $0x0;
	_ =	strace $0x90000047  }
0x121: {  	s0 =	sadd.s32 @!p0 $0x100000, s0;
	[bflag:$0x2] =	sbarrier.arrive $0xFFFF  }
0x122: {  	[sflag:s0] =	ssyncadd.tile.s32 @!p0 $0x1;
	_ =	shalt  }
.Lfunc_end2:
_tile_overlayer_lowered:
.L_overlay_start_2:
0x123: {  	(tag) =	ssettag $0x2  }
0x124: {  	s0 =	rddreg [dreg:$0x0];
	s2 =	stileid.u32  }
0x125: {  	s1 =	rddreg [dreg:$0x1];
	p0 =	sne.s32 s2, $0x0  }
0x126: {  	s3 =	rddreg [dreg:$0x2];
	[bflag:$0x3] =	sbarrier.arrive $0xFFFF;
	s2 =	simm.s32 @!p0 $0x1C02  }
0x127: {  	[timem:s3], [sflag:s2] =	dma.local @!p0 [hbm:s0], s1  }
0x128: {  	s0 =	simm.s32 @!p0 $0x2  }
0x129: {  	_ =	swait.ge @!p0 [sflag:s0], s1  }
0x12a: {  	s1 =	ssub.s32 @!p0 $0x0, s1;
	[sflag:s0] =	ssyncset.done @!p0 $0x0  }
0x12b: {  	[sflag:s0] =	ssyncadd.s32 @!p0 s1  }
0x12c: {  	[bflag:$0x3] =	sbarrier.arrive $0xFFFF  }
0x12d: {  	_ =	shalt  }

// kernel: sparse-core-data-format-call.1.cloned.1.call-start
scs
called_computation.1_lowered:
.L_overlay_start_0:
0x0: {  	s1 =	sld [smem:$0x3FD9]  }
0x1: {  	s2 =	sld [smem:$0x3FFE];
	_ =	sdelay $0x1  }
0x2: {  	s3 =	srdreg.scid  }
0x3: {  	s0 =	sand.u32 $0x1, s3  }
0x4: {  	s17 =	sshll.u32 s0, $0xA;
	s1 =	sadd.s32 s2, s1  }
0x5: {  	s1 =	sadd.s32 s1, s17  }
0x6: {  	[smem:$0x3FC3] =	sst s1  }
0x7: {  	_ = 	snop  }
0x8: {  	(tm) =	ssettm $0x1  }
0x9: {  	s18 =	sld [smem:$0x3FFB];
	_ =	sdelay $0x3  }
0xa: {  	_ =	strace s18  }
0xb: {  	s1 =	sld [smem:$0x3FFC];
	_ =	sdelay $0x3  }
0xc: {  	_ =	strace s1  }
0xd: {  	s1 =	sld [smem:$0x3FFD];
	_ =	sdelay $0x3  }
0xe: {  	_ =	strace s1  }
0xf: {  	_ =	strace $0x8FFFFFFF  }
0x10: {  	s19 =	sld [smem:$0x3FDB];
	_ =	sdelay $0x1  }
0x11: {  	s20 =	simm.s32 $_scs_section_size  }
0x12: {  	s4 =	simm.s32 $_size__tile_overlayer_lowered;
	s5 =	simm.s32 $_tile_overlayer_lowered  }
0x13: {  	s23 =	simm.s32 $0x1BFF;
	s22 =	sshll.u32 s5, $0x1;
	s1 =	sadd.s32 s20, s19  }
0x14: {  	s6 =	simm.s32 $0x0;
	s21 =	sshll.u32 s4, $0x1;
	s4 =	sadd.s32 s22, s1  }
0x15: {  	[timem:s6], [sflag:s23] =	dma.local [hbm:s4], s21  }
0x16: {  	_ =	swait.ge [sflag:s23], s21  }
0x17: {  	s2 =	ssub.s32 $0x0, s21;
	[sflag:s23] =	ssyncset.done $0x0  }
0x18: {  	[sflag:s23] =	ssyncadd.s32 s2;
	_ =	sdelay $0x1  }
0x19: {  	s24 =	simm.s32 $0x1B8B  }
0x1a: {  	_ =	swait.ge [sflag:s24], $0x1  }
0x1b: {  	[sflag:s24] =	ssyncset.done $0x0  }
0x1c: {  	s26 =	simm.s32 $0x1B8E;
	s25 =	sld [smem:$0x3FFE];
	[sflag:s24] =	ssyncadd.s32 $0xFFFFFFFF  }
0x1d: {  	s27 =	simm.s32 $execute0_lowered;
	[smem:$0x3FD2] =	sst s26  }
0x1e: {  	s4 =	sshll.u32 s27, $0x1;
	_ =	strace $0x80000049;
	[dreg:$0x1] =	wrdreg $0xFFFFFFFF  }
0x1f: {  	s28 =	simm.s32 $_size_execute0_lowered;
	s1 =	sadd.s32 s1, s4;
	[dreg:$0x0] =	wrdreg $0x0  }
0x20: {  	s4 =	sshll.u32 s28, $0x1;
	[dreg:$0x2] =	wrdreg s1  }
0x21: {  	[dreg:$0x3] =	wrdreg s4  }
0x22: {  	[dreg:$0x4] =	wrdreg $0xC0  }
0x23: {  	_ =	task [dreg:s6], $0x5FFFF  }
0x24: {  	[dreg:$0x1] =	wrdreg $0xFFFFFFFF  }
0x25: {  	[dreg:$0x0] =	wrdreg $0x60  }
0x26: {  	[dreg:$0x2] =	wrdreg s25  }
0x27: {  	[dreg:$0x3] =	wrdreg $0x9  }
0x28: {  	_ =	task.clear_ibuf [dreg:s6], $0x4FFFF;
	_ =	strace $0x90000049  }
0x29: {  	s29 =	simm.s32 $0x9;
	_ =	strace $0x8000004B  }
0x2a: {  	_ =	swait.ge [sflag:s29], $0x1  }
0x2b: {  	[sflag:s29] =	ssyncadd.s32 $0xFFFFFFFF  }
0x2c: {  	_ =	strace $0x9000004B  }
0x2d: {  	_ =	sfence  }
0x2e: {  	s30 =	sld [smem:$0x0];
	_ =	sdelay $0x2  }
0x2f: {  	s31 =	sshll.u32 s3, $0xD;
	s3 =	sshrl.u32 s3, $0x2  }
0x30: {  	s2 =	sand.u32 $0x4000, s31;
	s1 =	sadd.s32 s3, s30  }
0x31: {  	s0 =	sor.u32 s2, s0;
	s1 =	sshll.u32 s1, $0x11  }
0x32: {  	s0 =	sor.u32 s1, s0  }
0x33: {  	s0 =	sadd.s32 $0x8F2B, s0  }
0x34: {  	[sflag:s0] =	ssyncadd.remote.s32 $0x1  }
0x35: {  	_ =	sfence.sel $0xFFFF  }
0x36: {  	[dreg:$0x0] =	wrdreg $0xFFFFFFFF;
	(pc) =	sbr.abs _section_cstart, $3  }
0x37: {  	[dreg:$0x1] =	wrdreg $0xFFFFFFFF  }
0x38: {  	_ =	task.clear_ibuf [dreg:s6], $0x2FFFF;
	_ =	strace $0x9FFFFFFF  }
0x39: {  	(tm) =	ssettm $0x7FFFFFFF  }
tec
execute0_lowered:
.L_overlay_start_1:
0x0: {  	(tag) =	ssettag $0x1  }
0x1: {  	s0 =	stileid.u32;
	s1 =	srdreg.scid  }
0x2: {  	s7 =	rddreg [dreg:$0x0];
	s31 =	simm.s32 $0x2;
	s14 =	simm.s32 $0x0  }
0x3: {  	s13 =	simm.s32 $0x0;
	s12 =	simm.s32 $0x0;
	s2 =	sshll.u32 s0, $0x7  }
0x4: {  	s3 =	sshll.u32 s0, $0x4;
	s1 =	sshll.u32 s1, $0x8;
	s2 =	sand.u32 $0x380, s2  }
0x5: {  	s3 =	sor.u32 s3, s1;
	s1 =	rddreg [dreg:$0x1];
	_ =	strace $0x8000004A  }
0x6: {  	s3 =	sand.u32 $0x180, s3;
	s4 =	ssub.s32 $0x400, s2;
	s11 =	smov.u32 s2  }
0x7: {  	s5 =	sand.u32 $0x380, s4;
	s6 =	ssub.s32 $0x2000, s3;
	s9 =	sshrl.u32 s4, $0xA  }
0x8: {  	p0 =	sne.s32 s5, $0x0;
	s5 =	simm.s32 $0x1;
	s8 =	sand.u32 $0x180, s6  }
0x9: {  	s5 =	simm.s32 @!p0 $0x0;
	p0 =	sne.s32 s8, $0x0;
	s8 =	simm.s32 $0x1  }
.Ltmp0:
0xa: {  	s6 =	sshrl.u32 s6, $0x9;
	s8 =	simm.s32 @!p0 $0x0;
	(pc) =	sbr.rel .LBB1_1-.Ltmp0, $4  }
0xb: {  	s4 =	simm.s32 $0x1;
	s5 =	sadd.s32 s5, s9;
	s6 =	sadd.s32 s8, s6  }
0xc: {  	s10 =	smov.u32 s3;
	[sflag:s4] =	ssyncpa.u1 $0x0;
	s5 =	smul.u32 s5, s6  }
0xd: {  	[sflag:s31] =	ssyncpa.u1 $0x0;
	p0 =	por $0x0, $0x0;
	s9 =	simm.s32 $0x2000  }
0xe: {  	s6 =	sadd.s32 $0x109A00, s7;
	s7 =	sadd.s32 $0x9A00, s7;
	s8 =	sadd.s32 $0x1, s5  }
.LBB1_4:
0xf: {  	v5 =	vld [tilespmem:s18+$0xFFFFFFD0];
	[tilespmem:s17+$0x2040 ss:$0x81] =	vst.msk $0xffff, v1  }
0x10: {  	v58 =	vld [tilespmem:s18+$0xFFFFFFE0];
	[tilespmem:s17+$0x2850 ss:$0x81] =	vst.msk $0xffff, v2  }
0x11: {  	s19 =	sshra.s32 s19, $0x2;
	v59 =	vld [tilespmem:s18+$0xFFFFFFF0];
	[tilespmem:s17+$0x3060 ss:$0x81] =	vst.msk $0xffff, v3  }
0x12: {  	v60 =	vld [tilespmem:s18+$0x0];
	[tilespmem:s17+$0x0 ss:$0x81] =	vst.msk $0xffff, v0;
	s16 =	sadd.s32 s19, s16  }
0x13: {  	v61 =	vld [tilespmem:s18+$0x10];
	[tilespmem:s16+$0x3870 ss:$0x81] =	vst.msk $0xffff, v4  }
0x14: {  	v62 =	vld [tilespmem:s18+$0x20];
	s26 =	sshll.u32 s14, $0xA;
	s27 =	sshll.u32 s13, $0x3;
	[tilespmem:s16+$0x810 ss:$0x81] =	vst.msk $0xffff, v5  }
0x15: {  	v63 =	vld [tilespmem:s18+$0xFFFFFFC0];
	s29 =	sshll.u32 s14, $0x7;
	s17 =	sand.u32 $0x7FE000, s26;
	s28 =	sand.u32 $0x7FFC00, s27;
	[tilespmem:s16+$0x1020 ss:$0x81] =	vst.msk $0xffff, v58  }
0x16: {  	s30 =	sand.u32 $0x78, s13;
	s14 =	sand.u32 $0x380, s29;
	s17 =	sadd.s32 s28, s17;
	[tilespmem:s16+$0x1830 ss:$0x81] =	vst.msk $0xffff, v59  }
0x17: {  	s14 =	sor.u32 s30, s14;
	s17 =	sand.u32 $0x7FFC00, s17;
	[tilespmem:s16+$0x2040 ss:$0x81] =	vst.msk $0xffff, v60  }
0x18: {  	s31 =	sand.u32 $0x7, s13;
	s14 =	sor.u32 s17, s14;
	[tilespmem:s16+$0x2850 ss:$0x81] =	vst.msk $0xffff, v61  }
0x19: {  	s13 =	sshll.u32 s31, $0x12;
	[tilespmem:s16+$0x3060 ss:$0x81] =	vst.msk $0xffff, v62;
	s14 =	sshrl.u32 s14, $0x3  }
0x1a: {  	s13 =	sor.u32 $0x400, s13;
	[tilespmem:s16+$0x0 ss:$0x81] =	vst.msk $0xffff, v63;
	s14 =	sadd.s32 s7, s14  }
0x1b: {  	[hbm4b:s14+s13] =	stream.strided.scatter [tilespmem:s15], [sflag:$0x2], $0x4000, s9, s13, $0x20;
	[tilespmem:$0x10100] =	vst v63  }
.LBB1_5:
0x1c: {  	s15 =	sadd.s32 $0x200, s10  }
0x1d: {  	s13 =	sadd.s32 $0x400, s11;
	s17 =	smov.u32 s11;
	p2 =	sgt.s32 s15, $0x1FFF  }
0x1e: {  	s17 =	smov.u32 @p2 s13  }
0x1f: {  	s15 =	smov.u32 @p2 s3;
	p2 =	sgt.s32 s17, $0x3FF  }
0x20: {  	s17 =	smov.u32 @p2 s2;
	p2 =	sne.s32 s12, s8  }
.Ltmp1:
0x21: {  	p1 =	slt.u32 s12, $0x2;
	(pc) =	sbr.rel @!p2 .LBB1_6-.Ltmp1, $4  }
0x22: {  	s16 =	simm.s32 @!p1 $0x2  }
0x23: {  	s14 =	smov.u32 s10;
	p0 =	por !p0, !p0;
	_ =	swait.ge @!p1 [sflag:s16], $0x4000  }
0x24: {  	s13 =	smov.u32 s11;
	[sflag:s16] =	ssyncset.done @!p1 $0x0;
	s10 =	smov.u32 s15  }
0x25: {  	s12 =	sadd.s32 $0x1, s12;
	[sflag:s16] =	ssyncadd.s32 @!p1 $0xFFFFC000;
	s11 =	smov.u32 s17  }
.LBB1_1:
0x26: {  	p1 =	sge.u32 s12, s5;
	s31 =	sadd.s32 $0xFFFFFFFF, s12  }
0x27: {  	s15 =	sand.u32 @!p1 $0x78, s10;
	s16 =	sshll.u32 @!p1 s11, $0xD;
	s17 =	sshll.u32 @!p1 s11, $0x7  }
0x28: {  	s18 =	sshll.u32 @!p1 s10, $0x3;
	s16 =	sand.u32 @!p1 $0x7F0000, s16;
	s17 =	sand.u32 @!p1 $0x380, s17  }
0x29: {  	s16 =	sadd.s32 @!p1 s16, s18;
	s18 =	sand.u32 @!p1 $0x1C00, s18;
	s15 =	sor.u32 @!p1 s17, s15  }
0x2a: {  	s17 =	sxor.u32 @!p1 $0xFFFFFFFF, s12;
	s16 =	sand.u32 @!p1 $0x7FE000, s16;
	s15 =	sor.u32 @!p1 s18, s15  }
0x2b: {  	s17 =	sshll.u32 @!p1 s17, $0xE;
	s15 =	sor.u32 @!p1 s16, s15;
	s16 =	sand.u32 @!p1 $0x7, s10  }
0x2c: {  	s18 =	simm.s32 @!p1 $0x10000;
	s15 =	sshrl.u32 @!p1 s15, $0x3;
	s16 =	sshll.u32 @!p1 s16, $0x12  }
0x2d: {  	s17 =	sand.u32 @!p1 $0x4000, s17;
	s15 =	sadd.s32 @!p1 s6, s15;
	s16 =	sor.u32 @!p1 $0x400, s16  }
0x2e: {  	[tilespmem:s17], [sflag:$0x1] =	stream.strided.gather @!p1 [hbm4b:s15+s16], $0x4000, s18, s16, $0x38;
	[tilespmem:$0x10100] =	vst v63  }
0x2f: {  	p1 =	sge.u32 s31, s5  }
.Ltmp2:
0x30: {  	_ = 	snop;
	(pc) =	sbr.rel @p1 .LBB1_5-.Ltmp2, $1  }
0x31: {  	_ =	sdelay $0x3  }
0x32: {  	s15 =	simm.s32 $0x1  }
0x33: {  	_ =	swait.ge [sflag:s4], $0x4000;
	s15 =	simm.s32 @!p0 $0x0  }
0x34: {  	[sflag:s4] =	ssyncset.done $0x0;
	s16 =	sshll.u32 s15, $0xE  }
0x35: {  	[sflag:s4] =	ssyncadd.s32 $0xFFFFC000;
	s18 =	sor.u32 $0x40, s16  }
0x36: {  	s15 =	smul.u32 $0x10200, s15;
	v0 =	vld [tilespmem:s18+$0x30]  }
0x37: {  	v3 =	vld [tilespmem:s18+$0xFFFFFFD0]  }
0x38: {  	s15 =	sshrl.u32 s15, $0x2;
	v4 =	vld [tilespmem:s18+$0xFFFFFFE0]  }
0x39: {  	v5 =	vld [tilespmem:s18+$0xFFFFFFF0];
	s16 =	sor.u32 $0x8000, s15  }
0x3a: {  	s31 =	sand.u32 $0x1, s12;
	v1 =	vld [tilespmem:s18+$0x0];
	s17 =	sadd.s32 $0x0, s16  }
0x3b: {  	v2 =	vld [tilespmem:s18+$0x10];
	s15 =	smul.u32 $0x10200, s31;
	[tilespmem:s17+$0x3870 ss:$0x81] =	vst.msk $0xffff, v0  }
0x3c: {  	[tilespmem:s17+$0x810 ss:$0x81] =	vst.msk $0xffff, v3;
	v3 =	vld [tilespmem:s18+$0x20]  }
0x3d: {  	s15 =	sshrl.u32 s15, $0x2;
	v0 =	vld [tilespmem:s18+$0xFFFFFFC0];
	[tilespmem:s17+$0x1020 ss:$0x81] =	vst.msk $0xffff, v4;
	s18 =	sadd.s32 $0x80, s18  }
0x3e: {  	s19 =	simm.s32 $0x4;
	s20 =	simm.s32 $0x8;
	s15 =	sor.u32 $0x8000, s15;
	[tilespmem:s17+$0x1830 ss:$0x81] =	vst.msk $0xffff, v5;
	v4 =	vld [tilespmem:s18+$0x30]  }
.LBB1_3:
0x3f: {  	p1 =	sne.s32 s20, $0x1FC;
	v5 =	vld [tilespmem:s18+$0xFFFFFFD0];
	[tilespmem:s17+$0x2040 ss:$0x81] =	vst.msk $0xffff, v1  }
0x40: {  	v6 =	vld [tilespmem:s18+$0xFFFFFFE0];
	[tilespmem:s17+$0x2850 ss:$0x81] =	vst.msk $0xffff, v2  }
0x41: {  	s21 =	sshra.s32 s19, $0x2;
	s19 =	smov.u32 s20;
	v7 =	vld [tilespmem:s18+$0xFFFFFFF0];
	[tilespmem:s17+$0x3060 ss:$0x81] =	vst.msk $0xffff, v3  }
.Ltmp3:
0x42: {  	v1 =	vld [tilespmem:s18+$0x0];
	[tilespmem:s17+$0x0 ss:$0x81] =	vst.msk $0xffff, v0;
	s17 =	sadd.s32 s21, s16;
	(pc) =	sbr.rel @p1 .LBB1_3-.Ltmp3, $4  }
0x43: {  	v2 =	vld [tilespmem:s18+$0x10];
	[tilespmem:s17+$0x3870 ss:$0x81] =	vst.msk $0xffff, v4  }
0x44: {  	[tilespmem:s17+$0x810 ss:$0x81] =	vst.msk $0xffff, v5;
	v3 =	vld [tilespmem:s18+$0x20]  }
0x45: {  	v0 =	vld [tilespmem:s18+$0xFFFFFFC0];
	[tilespmem:s17+$0x1020 ss:$0x81] =	vst.msk $0xffff, v6;
	s18 =	sadd.s32 $0x80, s18  }
0x46: {  	s20 =	sadd.s32 $0x4, s20;
	v4 =	vld [tilespmem:s18+$0x30];
	[tilespmem:s17+$0x1830 ss:$0x81] =	vst.msk $0xffff, v7  }
.Ltmp4:
0x47: {  	_ = 	snop;
	(pc) =	sbr.rel .LBB1_4-.Ltmp4, $1  }
0x48: {  	_ =	sdelay $0x3  }
.LBB1_6:
0x49: {  	_ =	sfence.sel $0x180000  }
0x4a: {  	s2 =	simm.s32 $0x1;
	[bflag:$0x0] =	sbarrier.arrive $0xFFFF  }
0x4b: {  	s31 =	simm.s32 $0x2;
	[sflag:s2] =	ssyncpa.u1 $0x1  }
0x4c: {  	[sflag:s31] =	ssyncpa.u1 $0x1  }
0x4d: {  	p0 =	sne.s32 s0, $0x0;
	_ =	strace $0x9000004A  }
0x4e: {  	s0 =	sadd.s32 @!p0 $0x100000, s1;
	[bflag:$0x2] =	sbarrier.arrive $0xFFFF  }
0x4f: {  	[sflag:s0] =	ssyncadd.tile.s32 @!p0 $0x1;
	_ =	shalt  }
.Lfunc_end1:
_tile_overlayer_lowered:
.L_overlay_start_2:
0x50: {  	(tag) =	ssettag $0x2  }
0x51: {  	s0 =	rddreg [dreg:$0x0];
	s2 =	stileid.u32  }
0x52: {  	s1 =	rddreg [dreg:$0x1];
	p0 =	sne.s32 s2, $0x0  }
0x53: {  	s3 =	rddreg [dreg:$0x2];
	[bflag:$0x3] =	sbarrier.arrive $0xFFFF;
	s2 =	simm.s32 @!p0 $0x1C01  }
0x54: {  	[timem:s3], [sflag:s2] =	dma.local @!p0 [hbm:s0], s1  }
0x55: {  	s0 =	simm.s32 @!p0 $0x1  }
0x56: {  	_ =	swait.ge @!p0 [sflag:s0], s1  }
0x57: {  	s1 =	ssub.s32 @!p0 $0x0, s1;
	[sflag:s0] =	ssyncset.done @!p0 $0x0  }
0x58: {  	[sflag:s0] =	ssyncadd.s32 @!p0 s1  }
0x59: {  	[bflag:$0x3] =	sbarrier.arrive $0xFFFF  }
0x5a: {  	_ =	shalt  }

// kernel: sparse-core-data-format-call.cloned.1.call-start
scs
called_computation_lowered:
.L_overlay_start_0:
0x0: {  	s1 =	sld [smem:$0x3FD9]  }
0x1: {  	s2 =	sld [smem:$0x3FFE];
	_ =	sdelay $0x1  }
0x2: {  	s3 =	srdreg.scid  }
0x3: {  	s0 =	sand.u32 $0x1, s3  }
0x4: {  	s17 =	sshll.u32 s0, $0xA;
	s1 =	sadd.s32 s2, s1  }
0x5: {  	s1 =	sadd.s32 s1, s17  }
0x6: {  	[smem:$0x3FC3] =	sst s1  }
0x7: {  	_ = 	snop  }
0x8: {  	(tm) =	ssettm $0x1  }
0x9: {  	s18 =	sld [smem:$0x3FFB];
	_ =	sdelay $0x3  }
0xa: {  	_ =	strace s18  }
0xb: {  	s1 =	sld [smem:$0x3FFC];
	_ =	sdelay $0x3  }
0xc: {  	_ =	strace s1  }
0xd: {  	s1 =	sld [smem:$0x3FFD];
	_ =	sdelay $0x3  }
0xe: {  	_ =	strace s1  }
0xf: {  	_ =	strace $0x8FFFFFFF  }
0x10: {  	s19 =	sld [smem:$0x3FDB];
	_ =	sdelay $0x1  }
0x11: {  	s20 =	simm.s32 $_scs_section_size  }
0x12: {  	s4 =	simm.s32 $_size__tile_overlayer_lowered;
	s5 =	simm.s32 $_tile_overlayer_lowered  }
0x13: {  	s23 =	simm.s32 $0x1BFF;
	s22 =	sshll.u32 s5, $0x1;
	s1 =	sadd.s32 s20, s19  }
0x14: {  	s6 =	simm.s32 $0x0;
	s21 =	sshll.u32 s4, $0x1;
	s4 =	sadd.s32 s22, s1  }
0x15: {  	[timem:s6], [sflag:s23] =	dma.local [hbm:s4], s21  }
0x16: {  	_ =	swait.ge [sflag:s23], s21  }
0x17: {  	s2 =	ssub.s32 $0x0, s21;
	[sflag:s23] =	ssyncset.done $0x0  }
0x18: {  	[sflag:s23] =	ssyncadd.s32 s2;
	_ =	sdelay $0x1  }
0x19: {  	s24 =	simm.s32 $0x1B8B  }
0x1a: {  	_ =	swait.ge [sflag:s24], $0x1  }
0x1b: {  	[sflag:s24] =	ssyncset.done $0x0  }
0x1c: {  	s26 =	simm.s32 $0x1B8E;
	s25 =	sld [smem:$0x3FFE];
	[sflag:s24] =	ssyncadd.s32 $0xFFFFFFFF  }
0x1d: {  	s27 =	simm.s32 $execute0_lowered;
	[smem:$0x3FD2] =	sst s26  }
0x1e: {  	s4 =	sshll.u32 s27, $0x1;
	_ =	strace $0x8000004C;
	[dreg:$0x1] =	wrdreg $0xFFFFFFFF  }
0x1f: {  	s28 =	simm.s32 $_size_execute0_lowered;
	s1 =	sadd.s32 s1, s4;
	[dreg:$0x0] =	wrdreg $0x0  }
0x20: {  	s4 =	sshll.u32 s28, $0x1;
	[dreg:$0x2] =	wrdreg s1  }
0x21: {  	[dreg:$0x3] =	wrdreg s4  }
0x22: {  	[dreg:$0x4] =	wrdreg $0xC0  }
0x23: {  	_ =	task [dreg:s6], $0x5FFFF  }
0x24: {  	[dreg:$0x1] =	wrdreg $0xFFFFFFFF  }
0x25: {  	[dreg:$0x0] =	wrdreg $0x60  }
0x26: {  	[dreg:$0x2] =	wrdreg s25  }
0x27: {  	[dreg:$0x3] =	wrdreg $0x9  }
0x28: {  	_ =	task.clear_ibuf [dreg:s6], $0x4FFFF;
	_ =	strace $0x9000004C  }
0x29: {  	s29 =	simm.s32 $0x9;
	_ =	strace $0x8000004E  }
0x2a: {  	_ =	swait.ge [sflag:s29], $0x1  }
0x2b: {  	[sflag:s29] =	ssyncadd.s32 $0xFFFFFFFF  }
0x2c: {  	_ =	strace $0x9000004E  }
0x2d: {  	_ =	sfence  }
0x2e: {  	s30 =	sld [smem:$0x0];
	_ =	sdelay $0x2  }
0x2f: {  	s31 =	sshll.u32 s3, $0xD;
	s3 =	sshrl.u32 s3, $0x2  }
0x30: {  	s2 =	sand.u32 $0x4000, s31;
	s1 =	sadd.s32 s3, s30  }
0x31: {  	s0 =	sor.u32 s2, s0;
	s1 =	sshll.u32 s1, $0x11  }
0x32: {  	s0 =	sor.u32 s1, s0  }
0x33: {  	s0 =	sadd.s32 $0x8F2B, s0  }
0x34: {  	[sflag:s0] =	ssyncadd.remote.s32 $0x1  }
0x35: {  	_ =	sfence.sel $0xFFFF  }
0x36: {  	[dreg:$0x0] =	wrdreg $0xFFFFFFFF;
	(pc) =	sbr.abs _section_cstart, $3  }
0x37: {  	[dreg:$0x1] =	wrdreg $0xFFFFFFFF  }
0x38: {  	_ =	task.clear_ibuf [dreg:s6], $0x2FFFF;
	_ =	strace $0x9FFFFFFF  }
0x39: {  	(tm) =	ssettm $0x7FFFFFFF  }
tec
execute0_lowered:
.L_overlay_start_1:
0x0: {  	(tag) =	ssettag $0x1  }
0x1: {  	s0 =	srdreg.scid  }
0x2: {  	s1 =	sshll.u32 s0, $0x4  }
0x3: {  	s6 =	rddreg [dreg:$0x0];
	s0 =	stileid.u32;
	s1 =	sand.u32 $0x10, s1  }
0x4: {  	s5 =	simm.s32 $0x1;
	s31 =	simm.s32 $0x2;
	s1 =	sor.u32 s0, s1  }
0x5: {  	s13 =	simm.s32 $0x0;
	s8 =	simm.s32 $0x10000;
	s2 =	sshll.u32 s1, $0x7  }
0x6: {  	s12 =	simm.s32 $0x0;
	s9 =	simm.s32 $0x0;
	s3 =	ssub.s32 $0x2000, s2  }
0x7: {  	s11 =	simm.s32 $0x0;
	s1 =	rddreg [dreg:$0x1];
	s4 =	sand.u32 $0xF80, s3  }
.Ltmp0:
0x8: {  	_ =	strace $0x8000004D;
	p0 =	sne.s32 s4, $0x0;
	(pc) =	sbr.rel .LBB1_1-.Ltmp0, $4  }
0x9: {  	s10 =	smov.u32 s2;
	s7 =	sshrl.u32 s3, $0xC;
	s5 =	simm.s32 @!p0 $0x0  }
0xa: {  	s3 =	sadd.s32 $0x9A00, s6;
	s4 =	simm.s32 $0x1;
	s5 =	sadd.s32 s5, s7  }
0xb: {  	s6 =	sadd.s32 $0x109A00, s6;
	[sflag:s4] =	ssyncpa.u1 $0x0;
	s5 =	sshll.u32 s5, $0x3  }
0xc: {  	p0 =	por $0x0, $0x0;
	[sflag:s31] =	ssyncpa.u1 $0x0;
	s7 =	sor.u32 $0x1, s5  }
.LBB1_4:
0xd: {  	v5 =	vld [tilespmem:s16+$0xFFFFFFD0]  }
0xe: {  	[tilespmem:s17+$0x2040 ss:$0x81] =	vst.msk $0xffff, v1;
	v58 =	vld [tilespmem:s16+$0xFFFFFFE0]  }
0xf: {  	[tilespmem:s17+$0x2850 ss:$0x81] =	vst.msk $0xffff, v2;
	v59 =	vld [tilespmem:s16+$0xFFFFFFF0]  }
0x10: {  	s18 =	sshra.s32 s18, $0x2;
	[tilespmem:s17+$0x3060 ss:$0x81] =	vst.msk $0xffff, v3;
	v60 =	vld [tilespmem:s16+$0x0]  }
0x11: {  	[tilespmem:s17+$0x0 ss:$0x81] =	vst.msk $0xffff, v0;
	v61 =	vld [tilespmem:s16+$0x10];
	s15 =	sadd.s32 s18, s15  }
0x12: {  	s26 =	sshll.u32 s13, $0xD;
	v62 =	vld [tilespmem:s16+$0x20];
	[tilespmem:s15+$0x3870 ss:$0x81] =	vst.msk $0xffff, v4  }
0x13: {  	s27 =	sand.u32 $0x78, s12;
	s19 =	sshll.u32 s12, $0x3;
	v63 =	vld [tilespmem:s16+$0xFFFFFFC0];
	s29 =	sshll.u32 s13, $0x7;
	[tilespmem:s15+$0x810 ss:$0x81] =	vst.msk $0xffff, v5  }
0x14: {  	s17 =	sand.u32 $0x7F0000, s26;
	s28 =	sand.u32 $0x7FFC00, s19;
	s19 =	sand.u32 $0x1C00, s19;
	[tilespmem:s15+$0x1020 ss:$0x81] =	vst.msk $0xffff, v58  }
0x15: {  	s13 =	sand.u32 $0x380, s29;
	s16 =	sadd.s32 s28, s17;
	s30 =	sor.u32 s27, s19;
	[tilespmem:s15+$0x1830 ss:$0x81] =	vst.msk $0xffff, v59  }
0x16: {  	s16 =	sand.u32 $0x7FE000, s16;
	s13 =	sor.u32 s13, s30;
	[tilespmem:s15+$0x2040 ss:$0x81] =	vst.msk $0xffff, v60  }
0x17: {  	s31 =	sand.u32 $0x7, s12;
	s13 =	sor.u32 s16, s13;
	[tilespmem:s15+$0x2850 ss:$0x81] =	vst.msk $0xffff, v61  }
0x18: {  	s12 =	sshll.u32 s31, $0x12;
	[tilespmem:s15+$0x3060 ss:$0x81] =	vst.msk $0xffff, v62;
	s13 =	sshrl.u32 s13, $0x3  }
0x19: {  	s12 =	sor.u32 $0x400, s12;
	[tilespmem:s15+$0x0 ss:$0x81] =	vst.msk $0xffff, v63;
	s13 =	sadd.s32 s6, s13  }
0x1a: {  	[hbm4b:s13+s12] =	stream.strided.scatter [tilespmem:s14], [sflag:$0x2], $0x4000, s8, s12, $0x20;
	[tilespmem:$0x10100] =	vst v63  }
.LBB1_5:
0x1b: {  	s14 =	sadd.s32 $0x80, s9  }
0x1c: {  	s12 =	sadd.s32 $0x1000, s10;
	s16 =	smov.u32 s10;
	p2 =	sgt.s32 s14, $0x3FF  }
0x1d: {  	s16 =	smov.u32 @p2 s12  }
0x1e: {  	s14 =	simm.s32 @p2 $0x0;
	p2 =	sgt.s32 s16, $0x1FFF  }
0x1f: {  	s16 =	smov.u32 @p2 s2;
	p2 =	sne.s32 s11, s7  }
.Ltmp1:
0x20: {  	p1 =	slt.u32 s11, $0x2;
	(pc) =	sbr.rel @!p2 .LBB1_6-.Ltmp1, $4  }
0x21: {  	s15 =	simm.s32 @!p1 $0x2  }
0x22: {  	s13 =	smov.u32 s9;
	p0 =	por !p0, !p0;
	_ =	swait.ge @!p1 [sflag:s15], $0x4000  }
0x23: {  	s12 =	smov.u32 s10;
	[sflag:s15] =	ssyncset.done @!p1 $0x0;
	s9 =	smov.u32 s14  }
0x24: {  	s11 =	sadd.s32 $0x1, s11;
	[sflag:s15] =	ssyncadd.s32 @!p1 $0xFFFFC000;
	s10 =	smov.u32 s16  }
.LBB1_1:
0x25: {  	p1 =	sge.u32 s11, s5  }
0x26: {  	s31 =	sadd.s32 $0xFFFFFFFF, s11;
	s14 =	sshll.u32 @!p1 s10, $0xA  }
0x27: {  	s15 =	sshll.u32 @!p1 s9, $0x3;
	s16 =	sshll.u32 @!p1 s10, $0x7;
	s14 =	sand.u32 @!p1 $0x7FE000, s14  }
0x28: {  	s17 =	sand.u32 @!p1 $0x78, s9;
	s14 =	sadd.s32 @!p1 s14, s15;
	s15 =	sand.u32 @!p1 $0x380, s16  }
0x29: {  	s16 =	sxor.u32 @!p1 $0xFFFFFFFF, s11;
	s14 =	sand.u32 @!p1 $0x7FFC00, s14;
	s15 =	sor.u32 @!p1 s15, s17  }
0x2a: {  	s16 =	sshll.u32 @!p1 s16, $0xE;
	s14 =	sor.u32 @!p1 s14, s15;
	s15 =	sand.u32 @!p1 $0x7, s9  }
0x2b: {  	s17 =	simm.s32 @!p1 $0x2000;
	s14 =	sshrl.u32 @!p1 s14, $0x3;
	s15 =	sshll.u32 @!p1 s15, $0x12  }
0x2c: {  	s16 =	sand.u32 @!p1 $0x4000, s16;
	s14 =	sadd.s32 @!p1 s3, s14;
	s15 =	sor.u32 @!p1 $0x400, s15  }
0x2d: {  	[tilespmem:s16], [sflag:$0x1] =	stream.strided.gather @!p1 [hbm4b:s14+s15], $0x4000, s17, s15, $0x38;
	[tilespmem:$0x10100] =	vst v63  }
0x2e: {  	p1 =	sge.u32 s31, s5  }
.Ltmp2:
0x2f: {  	_ = 	snop;
	(pc) =	sbr.rel @p1 .LBB1_5-.Ltmp2, $1  }
0x30: {  	_ =	sdelay $0x3  }
0x31: {  	s14 =	simm.s32 $0x1  }
0x32: {  	_ =	swait.ge [sflag:s4], $0x4000;
	s14 =	simm.s32 @!p0 $0x0  }
0x33: {  	[sflag:s4] =	ssyncset.done $0x0;
	s15 =	sshll.u32 s14, $0xE  }
0x34: {  	[sflag:s4] =	ssyncadd.s32 $0xFFFFC000;
	s16 =	sor.u32 $0x40, s15  }
0x35: {  	s14 =	smul.u32 $0x10200, s14;
	v0 =	vld [tilespmem:s16+$0x30]  }
0x36: {  	v3 =	vld [tilespmem:s16+$0xFFFFFFD0]  }
0x37: {  	s14 =	sshrl.u32 s14, $0x2;
	v4 =	vld [tilespmem:s16+$0xFFFFFFE0]  }
0x38: {  	v5 =	vld [tilespmem:s16+$0xFFFFFFF0];
	s15 =	sor.u32 $0x8000, s14  }
0x39: {  	s31 =	sand.u32 $0x1, s11;
	v1 =	vld [tilespmem:s16+$0x0];
	s17 =	sadd.s32 $0x0, s15  }
0x3a: {  	v2 =	vld [tilespmem:s16+$0x10];
	s14 =	smul.u32 $0x10200, s31;
	[tilespmem:s17+$0x3870 ss:$0x81] =	vst.msk $0xffff, v0  }
0x3b: {  	[tilespmem:s17+$0x810 ss:$0x81] =	vst.msk $0xffff, v3;
	v3 =	vld [tilespmem:s16+$0x20]  }
0x3c: {  	s14 =	sshrl.u32 s14, $0x2;
	v0 =	vld [tilespmem:s16+$0xFFFFFFC0];
	[tilespmem:s17+$0x1020 ss:$0x81] =	vst.msk $0xffff, v4;
	s16 =	sadd.s32 $0x80, s16  }
0x3d: {  	s18 =	simm.s32 $0x4;
	s19 =	simm.s32 $0x8;
	s14 =	sor.u32 $0x8000, s14;
	[tilespmem:s17+$0x1830 ss:$0x81] =	vst.msk $0xffff, v5;
	v4 =	vld [tilespmem:s16+$0x30]  }
.LBB1_3:
0x3e: {  	p1 =	sne.s32 s19, $0x1FC;
	v5 =	vld [tilespmem:s16+$0xFFFFFFD0];
	[tilespmem:s17+$0x2040 ss:$0x81] =	vst.msk $0xffff, v1  }
0x3f: {  	v6 =	vld [tilespmem:s16+$0xFFFFFFE0];
	[tilespmem:s17+$0x2850 ss:$0x81] =	vst.msk $0xffff, v2  }
0x40: {  	s20 =	sshra.s32 s18, $0x2;
	s18 =	smov.u32 s19;
	v7 =	vld [tilespmem:s16+$0xFFFFFFF0];
	[tilespmem:s17+$0x3060 ss:$0x81] =	vst.msk $0xffff, v3  }
.Ltmp3:
0x41: {  	v1 =	vld [tilespmem:s16+$0x0];
	[tilespmem:s17+$0x0 ss:$0x81] =	vst.msk $0xffff, v0;
	s17 =	sadd.s32 s20, s15;
	(pc) =	sbr.rel @p1 .LBB1_3-.Ltmp3, $4  }
0x42: {  	v2 =	vld [tilespmem:s16+$0x10];
	[tilespmem:s17+$0x3870 ss:$0x81] =	vst.msk $0xffff, v4  }
0x43: {  	[tilespmem:s17+$0x810 ss:$0x81] =	vst.msk $0xffff, v5;
	v3 =	vld [tilespmem:s16+$0x20]  }
0x44: {  	v0 =	vld [tilespmem:s16+$0xFFFFFFC0];
	[tilespmem:s17+$0x1020 ss:$0x81] =	vst.msk $0xffff, v6;
	s16 =	sadd.s32 $0x80, s16  }
0x45: {  	s19 =	sadd.s32 $0x4, s19;
	v4 =	vld [tilespmem:s16+$0x30];
	[tilespmem:s17+$0x1830 ss:$0x81] =	vst.msk $0xffff, v7  }
.Ltmp4:
0x46: {  	_ = 	snop;
	(pc) =	sbr.rel .LBB1_4-.Ltmp4, $1  }
0x47: {  	_ =	sdelay $0x3  }
.LBB1_6:
0x48: {  	_ =	sfence.sel $0x180000  }
0x49: {  	s2 =	simm.s32 $0x1;
	[bflag:$0x0] =	sbarrier.arrive $0xFFFF  }
0x4a: {  	s31 =	simm.s32 $0x2;
	[sflag:s2] =	ssyncpa.u1 $0x1  }
0x4b: {  	[sflag:s31] =	ssyncpa.u1 $0x1  }
0x4c: {  	p0 =	sne.s32 s0, $0x0;
	_ =	strace $0x9000004D  }
0x4d: {  	s0 =	sadd.s32 @!p0 $0x100000, s1;
	[bflag:$0x2] =	sbarrier.arrive $0xFFFF  }
0x4e: {  	[sflag:s0] =	ssyncadd.tile.s32 @!p0 $0x1;
	_ =	shalt  }
.Lfunc_end1:
_tile_overlayer_lowered:
.L_overlay_start_2:
0x4f: {  	(tag) =	ssettag $0x2  }
0x50: {  	s0 =	rddreg [dreg:$0x0];
	s2 =	stileid.u32  }
0x51: {  	s1 =	rddreg [dreg:$0x1];
	p0 =	sne.s32 s2, $0x0  }
0x52: {  	s3 =	rddreg [dreg:$0x2];
	[bflag:$0x3] =	sbarrier.arrive $0xFFFF;
	s2 =	simm.s32 @!p0 $0x1C01  }
0x53: {  	[timem:s3], [sflag:s2] =	dma.local @!p0 [hbm:s0], s1  }
0x54: {  	s0 =	simm.s32 @!p0 $0x1  }
0x55: {  	_ =	swait.ge @!p0 [sflag:s0], s1  }
0x56: {  	s1 =	ssub.s32 @!p0 $0x0, s1;
	[sflag:s0] =	ssyncset.done @!p0 $0x0  }
0x57: {  	[sflag:s0] =	ssyncadd.s32 @!p0 s1  }
0x58: {  	[bflag:$0x3] =	sbarrier.arrive $0xFFFF  }
0x59: {  	_ =	shalt  }

</sc_bundles>
